<compile_context>
chip_gen: v7x
topology: tpu7x:2x2x1
jax: 0.10.2.dev20260603
libtpu: 0.0.44.dev20260713+nightly
codegen_flags: <defaults>
</compile_context>

<pallas_src>
import functools

import jax
import jax.numpy as jnp
from jax import lax
from jax.experimental import pallas as pl
from jax.experimental.pallas import tpu as pltpu
from jax.experimental.pallas import tpu_sc as plsc

N = 10000
E = 320000
NC = 2
NS = 16
NW = NC * NS
EPW = E // NW
K = 400
NCHUNK = EPW // K
RPS = N // NS
ZR = 125
HW = 16

_mesh = plsc.VectorSubcoreMesh(core_axis_name="c", subcore_axis_name="s")
_sc_params = pltpu.CompilerParams(use_tc_tiling_on_sc=False)
_sc_hist_params = pltpu.CompilerParams(use_tc_tiling_on_sc=False,
                                       needs_layout_passes=False)
NR = N // 16


@functools.partial(
    pl.kernel,
    out_type=jax.ShapeDtypeStruct((NC, N, HW), jnp.float32),
    mesh=_mesh,
    compiler_params=_sc_params,
    scratch_types=[
        pltpu.VMEM((NCHUNK, K), jnp.int32),
        pltpu.VMEM((K, HW), jnp.float32),
        pltpu.VMEM((ZR, HW), jnp.float32),
        pltpu.VMEM_SHARED((N, HW), jnp.float32),
        pltpu.SemaphoreType.DMA,
    ],
)
def _sc_hist(ei_hbm, out_hbm, dst_v, ones_v, zbuf, acc, sem):
    cid = lax.axis_index("c")
    sid = lax.axis_index("s")
    wid = sid * NC + cid

    @pl.loop(0, ZR)
    def _(r):
        zbuf[r, :] = jnp.zeros((HW,), jnp.float32)

    @pl.loop(0, K)
    def _(r):
        ones_v[r, :] = jnp.ones((HW,), jnp.float32)

    @pl.loop(0, RPS // ZR)
    def _(r):
        pltpu.sync_copy(zbuf, acc.at[pl.ds(sid * RPS + r * ZR, ZR)])

    @pl.loop(0, NCHUNK)
    def _(c):
        pltpu.async_copy(ei_hbm.at[1, pl.ds(wid * EPW + c * K, K)],
                         dst_v.at[c], sem)

    @pl.loop(0, NCHUNK)
    def _(c):
        pltpu.make_async_copy(ei_hbm.at[1, pl.ds(0, K)], dst_v.at[0],
                              sem).wait()

    plsc.subcore_barrier()

    @pl.loop(0, NCHUNK)
    def _(ci):
        pltpu.sync_copy(ones_v, acc.at[dst_v.at[ci]], add=True)

    plsc.subcore_barrier()
    pltpu.sync_copy(
        acc.at[pl.ds(sid * RPS, RPS)],
        out_hbm.at[cid, pl.ds(sid * RPS, RPS)],
    )


def _make_sc_agg(D):
    @functools.partial(
        pl.kernel,
        out_type=jax.ShapeDtypeStruct((NC, N, D), jnp.float32),
        mesh=_mesh,
        compiler_params=_sc_params,
        scratch_types=[
            pltpu.VMEM((NCHUNK, K), jnp.int32),
            pltpu.VMEM((NCHUNK, K), jnp.int32),
            pltpu.VMEM((K, D), jnp.float32),
            pltpu.VMEM((K, D), jnp.float32),
            pltpu.VMEM((ZR, D), jnp.float32),
            pltpu.VMEM_SHARED((N, D), jnp.float32),
            pltpu.SemaphoreType.DMA,
            pltpu.SemaphoreType.DMA,
            pltpu.SemaphoreType.DMA,
        ],
    )
    def _sc_agg(h_hbm, ei_hbm, out_hbm,
                src_v, dst_v, buf0, buf1, zbuf, acc, sem0, sem1, semi):
        cid = lax.axis_index("c")
        sid = lax.axis_index("s")
        wid = sid * NC + cid

        @pl.loop(0, ZR)
        def _(r):
            @pl.loop(0, D // 16)
            def _(j):
                zbuf[r, pl.ds(j * 16, 16)] = jnp.zeros((16,), jnp.float32)

        @pl.loop(0, RPS // ZR)
        def _(r):
            pltpu.sync_copy(zbuf, acc.at[pl.ds(sid * RPS + r * ZR, ZR)])

        @pl.loop(0, NCHUNK)
        def _(c):
            base = wid * EPW + c * K
            pltpu.async_copy(ei_hbm.at[0, pl.ds(base, K)], src_v.at[c], semi)
            pltpu.async_copy(ei_hbm.at[1, pl.ds(base, K)], dst_v.at[c], semi)

        @pl.loop(0, 2 * NCHUNK)
        def _(c):
            pltpu.make_async_copy(ei_hbm.at[0, pl.ds(0, K)], src_v.at[0],
                                  semi).wait()

        plsc.subcore_barrier()

        pltpu.async_copy(h_hbm.at[src_v.at[0]], buf0, sem0)

        @pl.loop(0, (NCHUNK - 1) // 2)
        def _(i):
            c = 2 * i
            pltpu.async_copy(h_hbm.at[src_v.at[c + 1]], buf1, sem1)
            pltpu.make_async_copy(h_hbm.at[src_v.at[c]], buf0, sem0).wait()
            pltpu.sync_copy(buf0, acc.at[dst_v.at[c]], add=True)
            pltpu.async_copy(h_hbm.at[src_v.at[c + 2]], buf0, sem0)
            pltpu.make_async_copy(h_hbm.at[src_v.at[c + 1]], buf1, sem1).wait()
            pltpu.sync_copy(buf1, acc.at[dst_v.at[c + 1]], add=True)

        pltpu.make_async_copy(h_hbm.at[src_v.at[NCHUNK - 1]], buf0, sem0).wait()
        pltpu.sync_copy(buf0, acc.at[dst_v.at[NCHUNK - 1]], add=True)

        plsc.subcore_barrier()
        pltpu.sync_copy(
            acc.at[pl.ds(sid * RPS, RPS)],
            out_hbm.at[cid, pl.ds(sid * RPS, RPS)],
        )

    return _sc_agg


_sc_agg64 = _make_sc_agg(64)
_sc_agg32 = _make_sc_agg(32)


_RB = 1000


def _mm_body(x_ref, w_ref, o_ref):
    o_ref[...] = jnp.dot(x_ref[...], w_ref[...],
                         preferred_element_type=jnp.float32)


def _tc_matmul(x, w):
    n, d_in = x.shape
    d_out = w.shape[1]
    return pl.pallas_call(
        _mm_body,
        grid=(n // _RB,),
        in_specs=[
            pl.BlockSpec((_RB, d_in), lambda i: (i, 0)),
            pl.BlockSpec((d_in, d_out), lambda i: (0, 0)),
        ],
        out_specs=pl.BlockSpec((_RB, d_out), lambda i: (i, 0)),
        out_shape=jax.ShapeDtypeStruct((n, d_out), jnp.float32),
    )(x, w)


def _scale_body(hp_ref, h_ref, hs_ref, dis_ref):
    deg = hp_ref[0, :, 0:1] + hp_ref[1, :, 0:1] + 1.0
    dis = lax.rsqrt(deg)
    dis_ref[...] = dis
    hs_ref[...] = dis * h_ref[...]


def _tc_scale(hp, h):
    d = h.shape[1]
    return pl.pallas_call(
        _scale_body,
        grid=(N // _RB,),
        in_specs=[
            pl.BlockSpec((NC, _RB, HW), lambda i: (0, i, 0)),
            pl.BlockSpec((_RB, d), lambda i: (i, 0)),
        ],
        out_specs=[
            pl.BlockSpec((_RB, d), lambda i: (i, 0)),
            pl.BlockSpec((_RB, 1), lambda i: (i, 0)),
        ],
        out_shape=[
            jax.ShapeDtypeStruct((N, d), jnp.float32),
            jax.ShapeDtypeStruct((N, 1), jnp.float32),
        ],
    )(hp, h)


def _layer_body(dis_ref, a_ref, hs_ref, b_ref, w_ref, o_ref):
    dis = dis_ref[...]
    z = dis * (a_ref[0] + a_ref[1] + hs_ref[...]) + b_ref[...]
    z = jnp.maximum(z, 0.0)
    h = jnp.dot(z, w_ref[...], preferred_element_type=jnp.float32)
    o_ref[...] = dis * h


def _tc_layer(dis, a, hs, b, w):
    d = hs.shape[1]
    d_out = w.shape[1]
    return pl.pallas_call(
        _layer_body,
        grid=(N // _RB,),
        in_specs=[
            pl.BlockSpec((_RB, 1), lambda i: (i, 0)),
            pl.BlockSpec((NC, _RB, d), lambda i: (0, i, 0)),
            pl.BlockSpec((_RB, d), lambda i: (i, 0)),
            pl.BlockSpec((1, d), lambda i: (0, 0)),
            pl.BlockSpec((d, d_out), lambda i: (0, 0)),
        ],
        out_specs=pl.BlockSpec((_RB, d_out), lambda i: (i, 0)),
        out_shape=jax.ShapeDtypeStruct((N, d_out), jnp.float32),
    )(dis, a, hs, b, w)


def _head_body(dis_ref, a_ref, hs_ref, b_ref, w_ref, bf_ref, o_ref):
    dis = dis_ref[...]
    z = dis * (a_ref[0] + a_ref[1] + hs_ref[...]) + b_ref[...]
    z = jnp.maximum(z, 0.0)
    o = jnp.dot(z, w_ref[...], preferred_element_type=jnp.float32)
    o_ref[...] = jax.nn.sigmoid(o + bf_ref[...])


def _tc_head(dis, a, hs, b, w, bf):
    d = hs.shape[1]
    return pl.pallas_call(
        _head_body,
        grid=(N // _RB,),
        in_specs=[
            pl.BlockSpec((_RB, 1), lambda i: (i, 0)),
            pl.BlockSpec((NC, _RB, d), lambda i: (0, i, 0)),
            pl.BlockSpec((_RB, d), lambda i: (i, 0)),
            pl.BlockSpec((1, d), lambda i: (0, 0)),
            pl.BlockSpec((d, 1), lambda i: (0, 0)),
            pl.BlockSpec((1, 1), lambda i: (0, 0)),
        ],
        out_specs=pl.BlockSpec((_RB, 1), lambda i: (i, 0)),
        out_shape=jax.ShapeDtypeStruct((N, 1), jnp.float32),
    )(dis, a, hs, b, w, bf)


def kernel(x, edge_index, W1, b1, W2, b2, Wfc, bfc):
    hp = _sc_hist(edge_index)
    h1 = _tc_matmul(x, W1)
    h1s, dis = _tc_scale(hp, h1)

    ap = _sc_agg64(h1s, edge_index)
    h2s = _tc_layer(dis, ap, h1s, b1.reshape(1, 64), W2)

    bp = _sc_agg32(h2s, edge_index)
    o = _tc_head(dis, bp, h2s, b2.reshape(1, 32), Wfc, bfc.reshape(1, 1))
    return o[:, 0]

# --- scband reference (transcript-rebuilt; emitter-appended) ---
"""Pipeline reference for scband-node-gnnmodel-58695023067297 (READ-ONLY COPY).

The authoritative reference and input builder live on the scoring server;
editing this copy changes nothing except your own understanding.
"""

import jax, jax.numpy as jnp
import numpy as np

N = 10000
E = 320000
D_IN = 64 * 2  # 128


def setup_inputs(seed: int = 0) -> dict:
    key = jax.random.key(seed)
    ks = jax.random.split(key, 8)
    x = jax.random.normal(ks[0], (N, 128), dtype=jnp.float32)
    edge_index = jax.random.randint(ks[1], (2, E), 0, N, dtype=jnp.int32)
    W1 = jax.random.normal(ks[2], (128, 64), dtype=jnp.float32) * (1.0 / np.sqrt(128))
    b1 = jnp.zeros((64,), dtype=jnp.float32)
    W2 = jax.random.normal(ks[3], (64, 32), dtype=jnp.float32) * (1.0 / np.sqrt(64))
    b2 = jnp.zeros((32,), dtype=jnp.float32)
    Wfc = jax.random.normal(ks[4], (32, 1), dtype=jnp.float32) * (1.0 / np.sqrt(32))
    bfc = jnp.zeros((1,), dtype=jnp.float32)
    return {"x": x, "edge_index": edge_index, "W1": W1, "b1": b1, "W2": W2, "b2": b2, "Wfc": Wfc, "bfc": bfc}


def _gcn_conv(x, edge_index, W, b):
    # PyG GCNConv semantics: add self-loops, symmetric normalization D^-1/2 (A+I) D^-1/2
    num_nodes = x.shape[0]
    loop = jnp.arange(num_nodes, dtype=edge_index.dtype)
    src = jnp.concatenate([edge_index[0], loop])
    dst = jnp.concatenate([edge_index[1], loop])
    h = x @ W  # linear transform first (lin has no bias in GCNConv)
    deg = jnp.zeros((num_nodes,), dtype=h.dtype).at[dst].add(1.0)
    deg_inv_sqrt = jnp.where(deg > 0, deg ** -0.5, 0.0)
    norm = deg_inv_sqrt[src] * deg_inv_sqrt[dst]
    msgs = norm[:, None] * h[src]
    out = jnp.zeros((num_nodes, W.shape[1]), dtype=h.dtype).at[dst].add(msgs)
    return out + b


def reference(x, edge_index, W1, b1, W2, b2, Wfc, bfc):
    h = jax.nn.relu(_gcn_conv(x, edge_index, W1, b1))
    h = jax.nn.relu(_gcn_conv(h, edge_index, W2, b2))
    out = h @ Wfc + bfc
    out = jax.nn.sigmoid(out)
    return jnp.squeeze(out, axis=-1)

if __name__ == "__main__":
    import jax
    _d = setup_inputs()
    print(jax.jit(kernel)(*tuple(_d.values())))

</pallas_src>

<mosaic_0001>
#map = affine_map<(d0, d1) -> (0, 0)>
#map1 = affine_map<(d0, d1) -> (0, 0, 0)>
module attributes {stable_mosaic.version = 14 : i64} {
  func.func @_sc_agg(%arg0: i32, %arg1: i32, %arg2: memref<10000x32xf32, #tpu.memory_space<hbm>>, %arg3: memref<2x320000xi32, #tpu.memory_space<hbm>>, %arg4: memref<2x10000x32xf32, #tpu.memory_space<hbm>>, %arg5: memref<25x400xi32, #tpu.memory_space<vmem>>, %arg6: memref<25x400xi32, #tpu.memory_space<vmem>>, %arg7: memref<400x32xf32, #tpu.memory_space<vmem>>, %arg8: memref<400x32xf32, #tpu.memory_space<vmem>>, %arg9: memref<125x32xf32, #tpu.memory_space<vmem>>, %arg10: memref<10000x32xf32, #tpu.memory_space<vmem_shared>>, %arg11: memref<!tpu.dma_semaphore, #tpu.memory_space<semaphore_mem>>, %arg12: memref<!tpu.dma_semaphore, #tpu.memory_space<semaphore_mem>>, %arg13: memref<!tpu.dma_semaphore, #tpu.memory_space<semaphore_mem>>) attributes {dimension_semantics = [#tpu.dimension_semantics<core_parallel>, #tpu.dimension_semantics<subcore_parallel>], iteration_bounds = array<i64: 2, 16>, scalar_prefetch = 0 : i64, scratch_operands = 9 : i64, tpu.core_type = #tpu.core_type<sc_vector_subcore>, window_params = [{transform_indices = #map}, {transform_indices = #map}, {transform_indices = #map1}]} {
    %mul3A = arith.constant 2 : i32
    %mul3A_0 = arith.muli %arg1, %mul3A : i32
    %add3A = arith.addi %mul3A_0, %arg0 : i32
    %scan3A = arith.constant 0 : i32
    %scan3A_1 = arith.constant 125 : i32
    %scan3A_2 = arith.addi %scan3A, %scan3A_1 : i32
    %scan3A_3 = arith.constant 1 : i32
    scf.for %scan3A_42 = %scan3A to %scan3A_2 step %scan3A_3  : i32 {
      %mul3A_43 = arith.constant 1 : i32
      %mul3A_44 = arith.muli %scan3A_42, %mul3A_43 : i32
      %add3A_45 = arith.constant 0 : i32
      %add3A_46 = arith.addi %add3A_45, %mul3A_44 : i32
      %scan3A_47 = arith.constant 0 : i32
      %scan3A_48 = arith.constant 2 : i32
      %scan3A_49 = arith.addi %scan3A_47, %scan3A_48 : i32
      %scan3A_50 = arith.constant 1 : i32
      scf.for %scan3A_52 = %scan3A_47 to %scan3A_49 step %scan3A_50  : i32 {
        %mul3A_53 = arith.constant 1 : i32
        %mul3A_54 = arith.muli %scan3A_52, %mul3A_53 : i32
        %add3A_55 = arith.constant 0 : i32
        %add3A_56 = arith.addi %add3A_55, %mul3A_54 : i32
        %broadcast_in_dim3A = arith.constant 0.000000e+00 : f32
        %broadcast_in_dim3A_57 = vector.broadcast %broadcast_in_dim3A : f32 to vector<16xf32>
        %mul3A_58 = arith.constant 16 : i32
        %mul3A_59 = arith.muli %add3A_56, %mul3A_58 : i32
        %swap3A = arith.index_cast %add3A_46 : i32 to index
        %swap3A_60 = arith.index_cast %mul3A_59 : i32 to index
        %swap3A_61 = tpu.vector_load %arg9[%swap3A, %swap3A_60] {strides = array<i32>} : memref<125x32xf32, #tpu.memory_space<vmem>>, vector<1x16xf32>,
        %swap3A_62 = vector.shape_cast %swap3A_61 : vector<1x16xf32> to vector<16xf32>
        %swap3A_63 = vector.shape_cast %broadcast_in_dim3A_57 : vector<16xf32> to vector<1x16xf32>
        tpu.vector_store %arg9[%swap3A, %swap3A_60], %swap3A_63 {strides = array<i32>} : memref<125x32xf32, #tpu.memory_space<vmem>>, vector<1x16xf32>,
      }
      %scan3A_51 = arith.constant 2 : i32
    }
    %scan3A_4 = arith.constant 125 : i32
    %scan3A_5 = arith.constant 0 : i32
    %scan3A_6 = arith.constant 5 : i32
    %scan3A_7 = arith.addi %scan3A_5, %scan3A_6 : i32
    %scan3A_8 = arith.constant 1 : i32
    scf.for %scan3A_42 = %scan3A_5 to %scan3A_7 step %scan3A_8  : i32 {
      %mul3A_43 = arith.constant 1 : i32
      %mul3A_44 = arith.muli %scan3A_42, %mul3A_43 : i32
      %add3A_45 = arith.constant 0 : i32
      %add3A_46 = arith.addi %add3A_45, %mul3A_44 : i32
      %mul3A_47 = arith.constant 625 : i32
      %mul3A_48 = arith.muli %arg1, %mul3A_47 : i32
      %mul3A_49 = arith.constant 125 : i32
      %mul3A_50 = arith.muli %add3A_46, %mul3A_49 : i32
      %add3A_51 = arith.addi %mul3A_48, %mul3A_50 : i32
      "tpu.region"() ({
        %run_scoped3A_52 = tpu.sem_alloc : memref<!tpu.dma_semaphore, #tpu.memory_space<semaphore_mem>>
        %dma_start3A_53 = arith.constant 0 : i32
        %dma_start3A_54 = tpu.memref_slice %arg10[%add3A_51, %dma_start3A_53] : memref<10000x32xf32, #tpu.memory_space<vmem_shared>> -> memref<125x32xf32, #tpu.memory_space<vmem_shared>>
        %dma_start3A_55 = arith.constant 0 : i32
        %dma_start3A_56 = tpu.memref_slice %arg10[%add3A_51, %dma_start3A_55] : memref<10000x32xf32, #tpu.memory_space<vmem_shared>> -> memref<125x32xf32, #tpu.memory_space<vmem_shared>>
        tpu.enqueue_dma source(%arg9 : memref<125x32xf32, #tpu.memory_space<vmem>>) target(%dma_start3A_56 : memref<125x32xf32, #tpu.memory_space<vmem_shared>>) target_semaphore(%run_scoped3A_52 : memref<!tpu.dma_semaphore, #tpu.memory_space<semaphore_mem>>)
        %dma_wait3A_57 = arith.constant 0 : i32
        %dma_wait3A_58 = tpu.memref_slice %arg10[%add3A_51, %dma_wait3A_57] : memref<10000x32xf32, #tpu.memory_space<vmem_shared>> -> memref<125x32xf32, #tpu.memory_space<vmem_shared>>
        %dma_wait3A_59 = arith.constant 0 : i32
        %dma_wait3A_60 = tpu.memref_slice %arg10[%add3A_51, %dma_wait3A_59] : memref<10000x32xf32, #tpu.memory_space<vmem_shared>> -> memref<125x32xf32, #tpu.memory_space<vmem_shared>>
        tpu.wait_dma2 semaphore(%run_scoped3A_52 : memref<!tpu.dma_semaphore, #tpu.memory_space<semaphore_mem>>) src(%arg9 : memref<125x32xf32, #tpu.memory_space<vmem>>) dst(%dma_wait3A_60 : memref<125x32xf32, #tpu.memory_space<vmem_shared>>)
        tpu.yield
      }) : () -> ()
    }
    %scan3A_9 = arith.constant 5 : i32
    %scan3A_10 = arith.constant 0 : i32
    %scan3A_11 = arith.constant 25 : i32
    %scan3A_12 = arith.addi %scan3A_10, %scan3A_11 : i32
    %scan3A_13 = arith.constant 1 : i32
    scf.for %scan3A_42 = %scan3A_10 to %scan3A_12 step %scan3A_13  : i32 {
      %mul3A_43 = arith.constant 1 : i32
      %mul3A_44 = arith.muli %scan3A_42, %mul3A_43 : i32
      %add3A_45 = arith.constant 0 : i32
      %add3A_46 = arith.addi %add3A_45, %mul3A_44 : i32
      %mul3A_47 = arith.constant 10000 : i32
      %mul3A_48 = arith.muli %add3A, %mul3A_47 : i32
      %mul3A_49 = arith.constant 400 : i32
      %mul3A_50 = arith.muli %add3A_46, %mul3A_49 : i32
      %add3A_51 = arith.addi %mul3A_48, %mul3A_50 : i32
      %dma_start3A_52 = arith.constant 0 : i32
      %dma_start3A_53 = arith.constant 0 : i32
      %dma_start3A_54 = tpu.memref_slice %arg5[%add3A_46, %dma_start3A_53] : memref<25x400xi32, #tpu.memory_space<vmem>> -> memref<1x400xi32, #tpu.memory_space<vmem>>
      %dma_start3A_55 = tpu.memref_squeeze %dma_start3A_54 : memref<1x400xi32, #tpu.memory_space<vmem>> -> memref<400xi32, #tpu.memory_space<vmem>>
      %dma_start3A_56 = tpu.memref_slice %arg3[%dma_start3A_52, %add3A_51] : memref<2x320000xi32, #tpu.memory_space<hbm>> -> memref<1x400xi32, #tpu.memory_space<hbm>>
      %dma_start3A_57 = tpu.memref_squeeze %dma_start3A_56 : memref<1x400xi32, #tpu.memory_space<hbm>> -> memref<400xi32, #tpu.memory_space<hbm>>
      %dma_start3A_58 = arith.constant 0 : i32
      %dma_start3A_59 = tpu.memref_slice %arg5[%add3A_46, %dma_start3A_58] : memref<25x400xi32, #tpu.memory_space<vmem>> -> memref<1x400xi32, #tpu.memory_space<vmem>>
      %dma_start3A_60 = tpu.memref_squeeze %dma_start3A_59 : memref<1x400xi32, #tpu.memory_space<vmem>> -> memref<400xi32, #tpu.memory_space<vmem>>
      %dma_start3A_61 = tpu.memref_slice %arg3[%dma_start3A_52, %add3A_51] : memref<2x320000xi32, #tpu.memory_space<hbm>> -> memref<1x400xi32, #tpu.memory_space<hbm>>
      %dma_start3A_62 = tpu.memref_squeeze %dma_start3A_61 : memref<1x400xi32, #tpu.memory_space<hbm>> -> memref<400xi32, #tpu.memory_space<hbm>>
      tpu.enqueue_dma source(%dma_start3A_62 : memref<400xi32, #tpu.memory_space<hbm>>) target(%dma_start3A_60 : memref<400xi32, #tpu.memory_space<vmem>>) target_semaphore(%arg13 : memref<!tpu.dma_semaphore, #tpu.memory_space<semaphore_mem>>)
      %dma_start3A_63 = arith.constant 1 : i32
      %dma_start3A_64 = arith.constant 0 : i32
      %dma_start3A_65 = tpu.memref_slice %arg6[%add3A_46, %dma_start3A_64] : memref<25x400xi32, #tpu.memory_space<vmem>> -> memref<1x400xi32, #tpu.memory_space<vmem>>
      %dma_start3A_66 = tpu.memref_squeeze %dma_start3A_65 : memref<1x400xi32, #tpu.memory_space<vmem>> -> memref<400xi32, #tpu.memory_space<vmem>>
      %dma_start3A_67 = tpu.memref_slice %arg3[%dma_start3A_63, %add3A_51] : memref<2x320000xi32, #tpu.memory_space<hbm>> -> memref<1x400xi32, #tpu.memory_space<hbm>>
      %dma_start3A_68 = tpu.memref_squeeze %dma_start3A_67 : memref<1x400xi32, #tpu.memory_space<hbm>> -> memref<400xi32, #tpu.memory_space<hbm>>
      %dma_start3A_69 = arith.constant 0 : i32
      %dma_start3A_70 = tpu.memref_slice %arg6[%add3A_46, %dma_start3A_69] : memref<25x400xi32, #tpu.memory_space<vmem>> -> memref<1x400xi32, #tpu.memory_space<vmem>>
      %dma_start3A_71 = tpu.memref_squeeze %dma_start3A_70 : memref<1x400xi32, #tpu.memory_space<vmem>> -> memref<400xi32, #tpu.memory_space<vmem>>
      %dma_start3A_72 = tpu.memref_slice %arg3[%dma_start3A_63, %add3A_51] : memref<2x320000xi32, #tpu.memory_space<hbm>> -> memref<1x400xi32, #tpu.memory_space<hbm>>
      %dma_start3A_73 = tpu.memref_squeeze %dma_start3A_72 : memref<1x400xi32, #tpu.memory_space<hbm>> -> memref<400xi32, #tpu.memory_space<hbm>>
      tpu.enqueue_dma source(%dma_start3A_73 : memref<400xi32, #tpu.memory_space<hbm>>) target(%dma_start3A_71 : memref<400xi32, #tpu.memory_space<vmem>>) target_semaphore(%arg13 : memref<!tpu.dma_semaphore, #tpu.memory_space<semaphore_mem>>)
    }
    %scan3A_14 = arith.constant 25 : i32
    %scan3A_15 = arith.constant 0 : i32
    %scan3A_16 = arith.constant 50 : i32
    %scan3A_17 = arith.addi %scan3A_15, %scan3A_16 : i32
    %scan3A_18 = arith.constant 1 : i32
    scf.for %scan3A_42 = %scan3A_15 to %scan3A_17 step %scan3A_18  : i32 {
      %mul3A_43 = arith.constant 1 : i32
      %mul3A_44 = arith.muli %scan3A_42, %mul3A_43 : i32
      %add3A_45 = arith.constant 0 : i32
      %add3A_46 = arith.addi %add3A_45, %mul3A_44 : i32
      %dma_wait3A_47 = arith.constant 0 : i32
      %dma_wait3A_48 = arith.constant 0 : i32
      %dma_wait3A_49 = arith.constant 0 : i32
      %dma_wait3A_50 = tpu.memref_slice %arg5[%dma_wait3A_48, %dma_wait3A_49] : memref<25x400xi32, #tpu.memory_space<vmem>> -> memref<1x400xi32, #tpu.memory_space<vmem>>
      %dma_wait3A_51 = tpu.memref_squeeze %dma_wait3A_50 : memref<1x400xi32, #tpu.memory_space<vmem>> -> memref<400xi32, #tpu.memory_space<vmem>>
      %dma_wait3A_52 = arith.constant 0 : i32
      %dma_wait3A_53 = tpu.memref_slice %arg3[%dma_wait3A_47, %dma_wait3A_52] : memref<2x320000xi32, #tpu.memory_space<hbm>> -> memref<1x400xi32, #tpu.memory_space<hbm>>
      %dma_wait3A_54 = tpu.memref_squeeze %dma_wait3A_53 : memref<1x400xi32, #tpu.memory_space<hbm>> -> memref<400xi32, #tpu.memory_space<hbm>>
      %dma_wait3A_55 = arith.constant 0 : i32
      %dma_wait3A_56 = tpu.memref_slice %arg5[%dma_wait3A_48, %dma_wait3A_55] : memref<25x400xi32, #tpu.memory_space<vmem>> -> memref<1x400xi32, #tpu.memory_space<vmem>>
      %dma_wait3A_57 = tpu.memref_squeeze %dma_wait3A_56 : memref<1x400xi32, #tpu.memory_space<vmem>> -> memref<400xi32, #tpu.memory_space<vmem>>
      %dma_wait3A_58 = arith.constant 0 : i32
      %dma_wait3A_59 = tpu.memref_slice %arg3[%dma_wait3A_47, %dma_wait3A_58] : memref<2x320000xi32, #tpu.memory_space<hbm>> -> memref<1x400xi32, #tpu.memory_space<hbm>>
      %dma_wait3A_60 = tpu.memref_squeeze %dma_wait3A_59 : memref<1x400xi32, #tpu.memory_space<hbm>> -> memref<400xi32, #tpu.memory_space<hbm>>
      tpu.wait_dma2 semaphore(%arg13 : memref<!tpu.dma_semaphore, #tpu.memory_space<semaphore_mem>>) src(%dma_wait3A_60 : memref<400xi32, #tpu.memory_space<hbm>>) dst(%dma_wait3A_57 : memref<400xi32, #tpu.memory_space<vmem>>)
    }
    %scan3A_19 = arith.constant 50 : i32
    %barrier3A = arith.constant 0 : index
    tpu.barrier barrier_id(%barrier3A)
    %dma_start3A = arith.constant 0 : i32
    %dma_start3A_20 = arith.constant 0 : i32
    %dma_start3A_21 = tpu.memref_slice %arg5[%dma_start3A, %dma_start3A_20] : memref<25x400xi32, #tpu.memory_space<vmem>> -> memref<1x400xi32, #tpu.memory_space<vmem>>
    %dma_start3A_22 = tpu.memref_squeeze %dma_start3A_21 : memref<1x400xi32, #tpu.memory_space<vmem>> -> memref<400xi32, #tpu.memory_space<vmem>>
    %dma_start3A_23 = arith.constant 0 : i32
    %dma_start3A_24 = arith.constant 0 : i32
    %dma_start3A_25 = tpu.memref_slice %arg2[%dma_start3A_23, %dma_start3A_24] : memref<10000x32xf32, #tpu.memory_space<hbm>> -> memref<10000x32xf32, #tpu.memory_space<hbm>>
    tpu.enqueue_indirect_dma source(%dma_start3A_25 : memref<10000x32xf32, #tpu.memory_space<hbm>>) target(%arg7 : memref<400x32xf32, #tpu.memory_space<vmem>>) offsets(%dma_start3A_22 : memref<400xi32, #tpu.memory_space<vmem>>) semaphore(%arg11 : memref<!tpu.dma_semaphore, #tpu.memory_space<semaphore_mem>>)
    %scan3A_26 = arith.constant 0 : i32
    %scan3A_27 = arith.constant 12 : i32
    %scan3A_28 = arith.addi %scan3A_26, %scan3A_27 : i32
    %scan3A_29 = arith.constant 1 : i32
    scf.for %scan3A_42 = %scan3A_26 to %scan3A_28 step %scan3A_29  : i32 {
      %mul3A_43 = arith.constant 1 : i32
      %mul3A_44 = arith.muli %scan3A_42, %mul3A_43 : i32
      %add3A_45 = arith.constant 0 : i32
      %add3A_46 = arith.addi %add3A_45, %mul3A_44 : i32
      %mul3A_47 = arith.constant 2 : i32
      %mul3A_48 = arith.muli %mul3A_47, %add3A_46 : i32
      %add3A_49 = arith.constant 1 : i32
      %add3A_50 = arith.addi %mul3A_48, %add3A_49 : i32
      %dma_start3A_51 = arith.constant 0 : i32
      %dma_start3A_52 = tpu.memref_slice %arg5[%add3A_50, %dma_start3A_51] : memref<25x400xi32, #tpu.memory_space<vmem>> -> memref<1x400xi32, #tpu.memory_space<vmem>>
      %dma_start3A_53 = tpu.memref_squeeze %dma_start3A_52 : memref<1x400xi32, #tpu.memory_space<vmem>> -> memref<400xi32, #tpu.memory_space<vmem>>
      %dma_start3A_54 = arith.constant 0 : i32
      %dma_start3A_55 = arith.constant 0 : i32
      %dma_start3A_56 = tpu.memref_slice %arg2[%dma_start3A_54, %dma_start3A_55] : memref<10000x32xf32, #tpu.memory_space<hbm>> -> memref<10000x32xf32, #tpu.memory_space<hbm>>
      tpu.enqueue_indirect_dma source(%dma_start3A_56 : memref<10000x32xf32, #tpu.memory_space<hbm>>) target(%arg8 : memref<400x32xf32, #tpu.memory_space<vmem>>) offsets(%dma_start3A_53 : memref<400xi32, #tpu.memory_space<vmem>>) semaphore(%arg12 : memref<!tpu.dma_semaphore, #tpu.memory_space<semaphore_mem>>)
      %dma_wait3A_57 = arith.constant 0 : i32
      %dma_wait3A_58 = tpu.memref_slice %arg5[%mul3A_48, %dma_wait3A_57] : memref<25x400xi32, #tpu.memory_space<vmem>> -> memref<1x400xi32, #tpu.memory_space<vmem>>
      %dma_wait3A_59 = tpu.memref_squeeze %dma_wait3A_58 : memref<1x400xi32, #tpu.memory_space<vmem>> -> memref<400xi32, #tpu.memory_space<vmem>>
      %dma_wait3A_60 = arith.constant 0 : i32
      %dma_wait3A_61 = arith.constant 0 : i32
      %dma_wait3A_62 = tpu.memref_slice %arg2[%dma_wait3A_60, %dma_wait3A_61] : memref<10000x32xf32, #tpu.memory_space<hbm>> -> memref<10000x32xf32, #tpu.memory_space<hbm>>
      tpu.wait_indirect_dma semaphore(%arg11 : memref<!tpu.dma_semaphore, #tpu.memory_space<semaphore_mem>>) src(%dma_wait3A_62 : memref<10000x32xf32, #tpu.memory_space<hbm>>) dst(%arg7 : memref<400x32xf32, #tpu.memory_space<vmem>>)
      "tpu.region"() ({
        %run_scoped3A_81 = tpu.sem_alloc : memref<!tpu.dma_semaphore, #tpu.memory_space<semaphore_mem>>
        %dma_start3A_82 = arith.constant 0 : i32
        %dma_start3A_83 = tpu.memref_slice %arg6[%mul3A_48, %dma_start3A_82] : memref<25x400xi32, #tpu.memory_space<vmem>> -> memref<1x400xi32, #tpu.memory_space<vmem>>
        %dma_start3A_84 = tpu.memref_squeeze %dma_start3A_83 : memref<1x400xi32, #tpu.memory_space<vmem>> -> memref<400xi32, #tpu.memory_space<vmem>>
        %dma_start3A_85 = arith.constant 0 : i32
        %dma_start3A_86 = arith.constant 0 : i32
        %dma_start3A_87 = tpu.memref_slice %arg10[%dma_start3A_85, %dma_start3A_86] : memref<10000x32xf32, #tpu.memory_space<vmem_shared>> -> memref<10000x32xf32, #tpu.memory_space<vmem_shared>>
        tpu.enqueue_indirect_dma source(%arg7 : memref<400x32xf32, #tpu.memory_space<vmem>>) target(%dma_start3A_87 : memref<10000x32xf32, #tpu.memory_space<vmem_shared>>) offsets(%dma_start3A_84 : memref<400xi32, #tpu.memory_space<vmem>>) semaphore(%run_scoped3A_81 : memref<!tpu.dma_semaphore, #tpu.memory_space<semaphore_mem>>) {add = true}
        %dma_wait3A_88 = arith.constant 0 : i32
        %dma_wait3A_89 = tpu.memref_slice %arg6[%mul3A_48, %dma_wait3A_88] : memref<25x400xi32, #tpu.memory_space<vmem>> -> memref<1x400xi32, #tpu.memory_space<vmem>>
        %dma_wait3A_90 = tpu.memref_squeeze %dma_wait3A_89 : memref<1x400xi32, #tpu.memory_space<vmem>> -> memref<400xi32, #tpu.memory_space<vmem>>
        %dma_wait3A_91 = arith.constant 0 : i32
        %dma_wait3A_92 = arith.constant 0 : i32
        %dma_wait3A_93 = tpu.memref_slice %arg10[%dma_wait3A_91, %dma_wait3A_92] : memref<10000x32xf32, #tpu.memory_space<vmem_shared>> -> memref<10000x32xf32, #tpu.memory_space<vmem_shared>>
        tpu.wait_indirect_dma semaphore(%run_scoped3A_81 : memref<!tpu.dma_semaphore, #tpu.memory_space<semaphore_mem>>) src(%arg7 : memref<400x32xf32, #tpu.memory_space<vmem>>) dst(%dma_wait3A_93 : memref<10000x32xf32, #tpu.memory_space<vmem_shared>>)
        tpu.yield
      }) : () -> ()
      %add3A_63 = arith.constant 2 : i32
      %add3A_64 = arith.addi %mul3A_48, %add3A_63 : i32
      %dma_start3A_65 = arith.constant 0 : i32
      %dma_start3A_66 = tpu.memref_slice %arg5[%add3A_64, %dma_start3A_65] : memref<25x400xi32, #tpu.memory_space<vmem>> -> memref<1x400xi32, #tpu.memory_space<vmem>>
      %dma_start3A_67 = tpu.memref_squeeze %dma_start3A_66 : memref<1x400xi32, #tpu.memory_space<vmem>> -> memref<400xi32, #tpu.memory_space<vmem>>
      %dma_start3A_68 = arith.constant 0 : i32
      %dma_start3A_69 = arith.constant 0 : i32
      %dma_start3A_70 = tpu.memref_slice %arg2[%dma_start3A_68, %dma_start3A_69] : memref<10000x32xf32, #tpu.memory_space<hbm>> -> memref<10000x32xf32, #tpu.memory_space<hbm>>
      tpu.enqueue_indirect_dma source(%dma_start3A_70 : memref<10000x32xf32, #tpu.memory_space<hbm>>) target(%arg7 : memref<400x32xf32, #tpu.memory_space<vmem>>) offsets(%dma_start3A_67 : memref<400xi32, #tpu.memory_space<vmem>>) semaphore(%arg11 : memref<!tpu.dma_semaphore, #tpu.memory_space<semaphore_mem>>)
      %add3A_71 = arith.constant 1 : i32
      %add3A_72 = arith.addi %mul3A_48, %add3A_71 : i32
      %dma_wait3A_73 = arith.constant 0 : i32
      %dma_wait3A_74 = tpu.memref_slice %arg5[%add3A_72, %dma_wait3A_73] : memref<25x400xi32, #tpu.memory_space<vmem>> -> memref<1x400xi32, #tpu.memory_space<vmem>>
      %dma_wait3A_75 = tpu.memref_squeeze %dma_wait3A_74 : memref<1x400xi32, #tpu.memory_space<vmem>> -> memref<400xi32, #tpu.memory_space<vmem>>
      %dma_wait3A_76 = arith.constant 0 : i32
      %dma_wait3A_77 = arith.constant 0 : i32
      %dma_wait3A_78 = tpu.memref_slice %arg2[%dma_wait3A_76, %dma_wait3A_77] : memref<10000x32xf32, #tpu.memory_space<hbm>> -> memref<10000x32xf32, #tpu.memory_space<hbm>>
      tpu.wait_indirect_dma semaphore(%arg12 : memref<!tpu.dma_semaphore, #tpu.memory_space<semaphore_mem>>) src(%dma_wait3A_78 : memref<10000x32xf32, #tpu.memory_space<hbm>>) dst(%arg8 : memref<400x32xf32, #tpu.memory_space<vmem>>)
      %add3A_79 = arith.constant 1 : i32
      %add3A_80 = arith.addi %mul3A_48, %add3A_79 : i32
      "tpu.region"() ({
        %run_scoped3A_81 = tpu.sem_alloc : memref<!tpu.dma_semaphore, #tpu.memory_space<semaphore_mem>>
        %dma_start3A_82 = arith.constant 0 : i32
        %dma_start3A_83 = tpu.memref_slice %arg6[%add3A_80, %dma_start3A_82] : memref<25x400xi32, #tpu.memory_space<vmem>> -> memref<1x400xi32, #tpu.memory_space<vmem>>
        %dma_start3A_84 = tpu.memref_squeeze %dma_start3A_83 : memref<1x400xi32, #tpu.memory_space<vmem>> -> memref<400xi32, #tpu.memory_space<vmem>>
        %dma_start3A_85 = arith.constant 0 : i32
        %dma_start3A_86 = arith.constant 0 : i32
        %dma_start3A_87 = tpu.memref_slice %arg10[%dma_start3A_85, %dma_start3A_86] : memref<10000x32xf32, #tpu.memory_space<vmem_shared>> -> memref<10000x32xf32, #tpu.memory_space<vmem_shared>>
        tpu.enqueue_indirect_dma source(%arg8 : memref<400x32xf32, #tpu.memory_space<vmem>>) target(%dma_start3A_87 : memref<10000x32xf32, #tpu.memory_space<vmem_shared>>) offsets(%dma_start3A_84 : memref<400xi32, #tpu.memory_space<vmem>>) semaphore(%run_scoped3A_81 : memref<!tpu.dma_semaphore, #tpu.memory_space<semaphore_mem>>) {add = true}
        %dma_wait3A_88 = arith.constant 0 : i32
        %dma_wait3A_89 = tpu.memref_slice %arg6[%add3A_80, %dma_wait3A_88] : memref<25x400xi32, #tpu.memory_space<vmem>> -> memref<1x400xi32, #tpu.memory_space<vmem>>
        %dma_wait3A_90 = tpu.memref_squeeze %dma_wait3A_89 : memref<1x400xi32, #tpu.memory_space<vmem>> -> memref<400xi32, #tpu.memory_space<vmem>>
        %dma_wait3A_91 = arith.constant 0 : i32
        %dma_wait3A_92 = arith.constant 0 : i32
        %dma_wait3A_93 = tpu.memref_slice %arg10[%dma_wait3A_91, %dma_wait3A_92] : memref<10000x32xf32, #tpu.memory_space<vmem_shared>> -> memref<10000x32xf32, #tpu.memory_space<vmem_shared>>
        tpu.wait_indirect_dma semaphore(%run_scoped3A_81 : memref<!tpu.dma_semaphore, #tpu.memory_space<semaphore_mem>>) src(%arg8 : memref<400x32xf32, #tpu.memory_space<vmem>>) dst(%dma_wait3A_93 : memref<10000x32xf32, #tpu.memory_space<vmem_shared>>)
        tpu.yield
      }) : () -> ()
    }
    %scan3A_30 = arith.constant 12 : i32
    %dma_wait3A = arith.constant 24 : i32
    %dma_wait3A_31 = arith.constant 0 : i32
    %dma_wait3A_32 = tpu.memref_slice %arg5[%dma_wait3A, %dma_wait3A_31] : memref<25x400xi32, #tpu.memory_space<vmem>> -> memref<1x400xi32, #tpu.memory_space<vmem>>
    %dma_wait3A_33 = tpu.memref_squeeze %dma_wait3A_32 : memref<1x400xi32, #tpu.memory_space<vmem>> -> memref<400xi32, #tpu.memory_space<vmem>>
    %dma_wait3A_34 = arith.constant 0 : i32
    %dma_wait3A_35 = arith.constant 0 : i32
    %dma_wait3A_36 = tpu.memref_slice %arg2[%dma_wait3A_34, %dma_wait3A_35] : memref<10000x32xf32, #tpu.memory_space<hbm>> -> memref<10000x32xf32, #tpu.memory_space<hbm>>
    tpu.wait_indirect_dma semaphore(%arg11 : memref<!tpu.dma_semaphore, #tpu.memory_space<semaphore_mem>>) src(%dma_wait3A_36 : memref<10000x32xf32, #tpu.memory_space<hbm>>) dst(%arg7 : memref<400x32xf32, #tpu.memory_space<vmem>>)
    %run_scoped3A = arith.constant 24 : i32
    "tpu.region"() ({
      %run_scoped3A_42 = tpu.sem_alloc : memref<!tpu.dma_semaphore, #tpu.memory_space<semaphore_mem>>
      %dma_start3A_43 = arith.constant 0 : i32
      %dma_start3A_44 = tpu.memref_slice %arg6[%run_scoped3A, %dma_start3A_43] : memref<25x400xi32, #tpu.memory_space<vmem>> -> memref<1x400xi32, #tpu.memory_space<vmem>>
      %dma_start3A_45 = tpu.memref_squeeze %dma_start3A_44 : memref<1x400xi32, #tpu.memory_space<vmem>> -> memref<400xi32, #tpu.memory_space<vmem>>
      %dma_start3A_46 = arith.constant 0 : i32
      %dma_start3A_47 = arith.constant 0 : i32
      %dma_start3A_48 = tpu.memref_slice %arg10[%dma_start3A_46, %dma_start3A_47] : memref<10000x32xf32, #tpu.memory_space<vmem_shared>> -> memref<10000x32xf32, #tpu.memory_space<vmem_shared>>
      tpu.enqueue_indirect_dma source(%arg7 : memref<400x32xf32, #tpu.memory_space<vmem>>) target(%dma_start3A_48 : memref<10000x32xf32, #tpu.memory_space<vmem_shared>>) offsets(%dma_start3A_45 : memref<400xi32, #tpu.memory_space<vmem>>) semaphore(%run_scoped3A_42 : memref<!tpu.dma_semaphore, #tpu.memory_space<semaphore_mem>>) {add = true}
      %dma_wait3A_49 = arith.constant 0 : i32
      %dma_wait3A_50 = tpu.memref_slice %arg6[%run_scoped3A, %dma_wait3A_49] : memref<25x400xi32, #tpu.memory_space<vmem>> -> memref<1x400xi32, #tpu.memory_space<vmem>>
      %dma_wait3A_51 = tpu.memref_squeeze %dma_wait3A_50 : memref<1x400xi32, #tpu.memory_space<vmem>> -> memref<400xi32, #tpu.memory_space<vmem>>
      %dma_wait3A_52 = arith.constant 0 : i32
      %dma_wait3A_53 = arith.constant 0 : i32
      %dma_wait3A_54 = tpu.memref_slice %arg10[%dma_wait3A_52, %dma_wait3A_53] : memref<10000x32xf32, #tpu.memory_space<vmem_shared>> -> memref<10000x32xf32, #tpu.memory_space<vmem_shared>>
      tpu.wait_indirect_dma semaphore(%run_scoped3A_42 : memref<!tpu.dma_semaphore, #tpu.memory_space<semaphore_mem>>) src(%arg7 : memref<400x32xf32, #tpu.memory_space<vmem>>) dst(%dma_wait3A_54 : memref<10000x32xf32, #tpu.memory_space<vmem_shared>>)
      tpu.yield
    }) : () -> ()
    %barrier3A_37 = arith.constant 0 : index
    tpu.barrier barrier_id(%barrier3A_37)
    %mul3A_38 = arith.constant 625 : i32
    %mul3A_39 = arith.muli %arg1, %mul3A_38 : i32
    %mul3A_40 = arith.constant 625 : i32
    %mul3A_41 = arith.muli %arg1, %mul3A_40 : i32
    "tpu.region"() ({
      %run_scoped3A_42 = tpu.sem_alloc : memref<!tpu.dma_semaphore, #tpu.memory_space<semaphore_mem>>
      %dma_start3A_43 = arith.constant 0 : i32
      %dma_start3A_44 = tpu.memref_slice %arg4[%arg0, %mul3A_41, %dma_start3A_43] : memref<2x10000x32xf32, #tpu.memory_space<hbm>> -> memref<1x625x32xf32, #tpu.memory_space<hbm>>
      %dma_start3A_45 = tpu.memref_squeeze %dma_start3A_44 : memref<1x625x32xf32, #tpu.memory_space<hbm>> -> memref<625x32xf32, #tpu.memory_space<hbm>>
      %dma_start3A_46 = arith.constant 0 : i32
      %dma_start3A_47 = tpu.memref_slice %arg10[%mul3A_39, %dma_start3A_46] : memref<10000x32xf32, #tpu.memory_space<vmem_shared>> -> memref<625x32xf32, #tpu.memory_space<vmem_shared>>
      tpu.enqueue_dma source(%dma_start3A_47 : memref<625x32xf32, #tpu.memory_space<vmem_shared>>) target(%dma_start3A_45 : memref<625x32xf32, #tpu.memory_space<hbm>>) target_semaphore(%run_scoped3A_42 : memref<!tpu.dma_semaphore, #tpu.memory_space<semaphore_mem>>)
      %dma_wait3A_48 = arith.constant 0 : i32
      %dma_wait3A_49 = tpu.memref_slice %arg4[%arg0, %mul3A_41, %dma_wait3A_48] : memref<2x10000x32xf32, #tpu.memory_space<hbm>> -> memref<1x625x32xf32, #tpu.memory_space<hbm>>
      %dma_wait3A_50 = tpu.memref_squeeze %dma_wait3A_49 : memref<1x625x32xf32, #tpu.memory_space<hbm>> -> memref<625x32xf32, #tpu.memory_space<hbm>>
      %dma_wait3A_51 = arith.constant 0 : i32
      %dma_wait3A_52 = tpu.memref_slice %arg10[%mul3A_39, %dma_wait3A_51] : memref<10000x32xf32, #tpu.memory_space<vmem_shared>> -> memref<625x32xf32, #tpu.memory_space<vmem_shared>>
      tpu.wait_dma2 semaphore(%run_scoped3A_42 : memref<!tpu.dma_semaphore, #tpu.memory_space<semaphore_mem>>) src(%dma_wait3A_52 : memref<625x32xf32, #tpu.memory_space<vmem_shared>>) dst(%dma_wait3A_50 : memref<625x32xf32, #tpu.memory_space<hbm>>)
      tpu.yield
    }) : () -> ()
    return
  }
}

#map = affine_map<(d0, d1) -> (0, 0)>
#map1 = affine_map<(d0, d1) -> (0, 0, 0)>
module attributes {stable_mosaic.version = 14 : i64} {
  func.func @_sc_hist(%arg0: i32, %arg1: i32, %arg2: memref<2x320000xi32, #tpu.memory_space<hbm>>, %arg3: memref<2x10000x16xf32, #tpu.memory_space<hbm>>, %arg4: memref<25x400xi32, #tpu.memory_space<vmem>>, %arg5: memref<400x16xf32, #tpu.memory_space<vmem>>, %arg6: memref<125x16xf32, #tpu.memory_space<vmem>>, %arg7: memref<10000x16xf32, #tpu.memory_space<vmem_shared>>, %arg8: memref<!tpu.dma_semaphore, #tpu.memory_space<semaphore_mem>>) attributes {dimension_semantics = [#tpu.dimension_semantics<core_parallel>, #tpu.dimension_semantics<subcore_parallel>], iteration_bounds = array<i64: 2, 16>, scalar_prefetch = 0 : i64, scratch_operands = 5 : i64, tpu.core_type = #tpu.core_type<sc_vector_subcore>, window_params = [{transform_indices = #map}, {transform_indices = #map1}]} {
    %mul3A = arith.constant 2 : i32
    %mul3A_0 = arith.muli %arg1, %mul3A : i32
    %add3A = arith.addi %mul3A_0, %arg0 : i32
    %scan3A = arith.constant 0 : i32
    %scan3A_1 = arith.constant 125 : i32
    %scan3A_2 = arith.addi %scan3A, %scan3A_1 : i32
    %scan3A_3 = arith.constant 1 : i32
    scf.for %scan3A_35 = %scan3A to %scan3A_2 step %scan3A_3  : i32 {
      %mul3A_36 = arith.constant 1 : i32
      %mul3A_37 = arith.muli %scan3A_35, %mul3A_36 : i32
      %add3A_38 = arith.constant 0 : i32
      %add3A_39 = arith.addi %add3A_38, %mul3A_37 : i32
      %broadcast_in_dim3A = arith.constant 0.000000e+00 : f32
      %broadcast_in_dim3A_40 = vector.broadcast %broadcast_in_dim3A : f32 to vector<16xf32>
      %swap3A = arith.index_cast %add3A_39 : i32 to index
      %swap3A_41 = arith.constant 0 : index
      %swap3A_42 = tpu.vector_load %arg6[%swap3A, %swap3A_41] {strides = array<i32>} : memref<125x16xf32, #tpu.memory_space<vmem>>, vector<1x16xf32>,
      %swap3A_43 = vector.shape_cast %swap3A_42 : vector<1x16xf32> to vector<16xf32>
      %swap3A_44 = vector.shape_cast %broadcast_in_dim3A_40 : vector<16xf32> to vector<1x16xf32>
      tpu.vector_store %arg6[%swap3A, %swap3A_41], %swap3A_44 {strides = array<i32>} : memref<125x16xf32, #tpu.memory_space<vmem>>, vector<1x16xf32>,
    }
    %scan3A_4 = arith.constant 125 : i32
    %scan3A_5 = arith.constant 0 : i32
    %scan3A_6 = arith.constant 400 : i32
    %scan3A_7 = arith.addi %scan3A_5, %scan3A_6 : i32
    %scan3A_8 = arith.constant 1 : i32
    scf.for %scan3A_35 = %scan3A_5 to %scan3A_7 step %scan3A_8  : i32 {
      %mul3A_36 = arith.constant 1 : i32
      %mul3A_37 = arith.muli %scan3A_35, %mul3A_36 : i32
      %add3A_38 = arith.constant 0 : i32
      %add3A_39 = arith.addi %add3A_38, %mul3A_37 : i32
      %broadcast_in_dim3A = arith.constant 1.000000e+00 : f32
      %broadcast_in_dim3A_40 = vector.broadcast %broadcast_in_dim3A : f32 to vector<16xf32>
      %swap3A = arith.index_cast %add3A_39 : i32 to index
      %swap3A_41 = arith.constant 0 : index
      %swap3A_42 = tpu.vector_load %arg5[%swap3A, %swap3A_41] {strides = array<i32>} : memref<400x16xf32, #tpu.memory_space<vmem>>, vector<1x16xf32>,
      %swap3A_43 = vector.shape_cast %swap3A_42 : vector<1x16xf32> to vector<16xf32>
      %swap3A_44 = vector.shape_cast %broadcast_in_dim3A_40 : vector<16xf32> to vector<1x16xf32>
      tpu.vector_store %arg5[%swap3A, %swap3A_41], %swap3A_44 {strides = array<i32>} : memref<400x16xf32, #tpu.memory_space<vmem>>, vector<1x16xf32>,
    }
    %scan3A_9 = arith.constant 400 : i32
    %scan3A_10 = arith.constant 0 : i32
    %scan3A_11 = arith.constant 5 : i32
    %scan3A_12 = arith.addi %scan3A_10, %scan3A_11 : i32
    %scan3A_13 = arith.constant 1 : i32
    scf.for %scan3A_35 = %scan3A_10 to %scan3A_12 step %scan3A_13  : i32 {
      %mul3A_36 = arith.constant 1 : i32
      %mul3A_37 = arith.muli %scan3A_35, %mul3A_36 : i32
      %add3A_38 = arith.constant 0 : i32
      %add3A_39 = arith.addi %add3A_38, %mul3A_37 : i32
      %mul3A_40 = arith.constant 625 : i32
      %mul3A_41 = arith.muli %arg1, %mul3A_40 : i32
      %mul3A_42 = arith.constant 125 : i32
      %mul3A_43 = arith.muli %add3A_39, %mul3A_42 : i32
      %add3A_44 = arith.addi %mul3A_41, %mul3A_43 : i32
      "tpu.region"() ({
        %run_scoped3A = tpu.sem_alloc : memref<!tpu.dma_semaphore, #tpu.memory_space<semaphore_mem>>
        %dma_start3A = arith.constant 0 : i32
        %dma_start3A_45 = tpu.memref_slice %arg7[%add3A_44, %dma_start3A] : memref<10000x16xf32, #tpu.memory_space<vmem_shared>> -> memref<125x16xf32, #tpu.memory_space<vmem_shared>>
        %dma_start3A_46 = arith.constant 0 : i32
        %dma_start3A_47 = tpu.memref_slice %arg7[%add3A_44, %dma_start3A_46] : memref<10000x16xf32, #tpu.memory_space<vmem_shared>> -> memref<125x16xf32, #tpu.memory_space<vmem_shared>>
        tpu.enqueue_dma source(%arg6 : memref<125x16xf32, #tpu.memory_space<vmem>>) target(%dma_start3A_47 : memref<125x16xf32, #tpu.memory_space<vmem_shared>>) target_semaphore(%run_scoped3A : memref<!tpu.dma_semaphore, #tpu.memory_space<semaphore_mem>>)
        %dma_wait3A = arith.constant 0 : i32
        %dma_wait3A_48 = tpu.memref_slice %arg7[%add3A_44, %dma_wait3A] : memref<10000x16xf32, #tpu.memory_space<vmem_shared>> -> memref<125x16xf32, #tpu.memory_space<vmem_shared>>
        %dma_wait3A_49 = arith.constant 0 : i32
        %dma_wait3A_50 = tpu.memref_slice %arg7[%add3A_44, %dma_wait3A_49] : memref<10000x16xf32, #tpu.memory_space<vmem_shared>> -> memref<125x16xf32, #tpu.memory_space<vmem_shared>>
        tpu.wait_dma2 semaphore(%run_scoped3A : memref<!tpu.dma_semaphore, #tpu.memory_space<semaphore_mem>>) src(%arg6 : memref<125x16xf32, #tpu.memory_space<vmem>>) dst(%dma_wait3A_50 : memref<125x16xf32, #tpu.memory_space<vmem_shared>>)
        tpu.yield
      }) : () -> ()
    }
    %scan3A_14 = arith.constant 5 : i32
    %scan3A_15 = arith.constant 0 : i32
    %scan3A_16 = arith.constant 25 : i32
    %scan3A_17 = arith.addi %scan3A_15, %scan3A_16 : i32
    %scan3A_18 = arith.constant 1 : i32
    scf.for %scan3A_35 = %scan3A_15 to %scan3A_17 step %scan3A_18  : i32 {
      %mul3A_36 = arith.constant 1 : i32
      %mul3A_37 = arith.muli %scan3A_35, %mul3A_36 : i32
      %add3A_38 = arith.constant 0 : i32
      %add3A_39 = arith.addi %add3A_38, %mul3A_37 : i32
      %mul3A_40 = arith.constant 10000 : i32
      %mul3A_41 = arith.muli %add3A, %mul3A_40 : i32
      %mul3A_42 = arith.constant 400 : i32
      %mul3A_43 = arith.muli %add3A_39, %mul3A_42 : i32
      %add3A_44 = arith.addi %mul3A_41, %mul3A_43 : i32
      %dma_start3A = arith.constant 1 : i32
      %dma_start3A_45 = arith.constant 0 : i32
      %dma_start3A_46 = tpu.memref_slice %arg4[%add3A_39, %dma_start3A_45] : memref<25x400xi32, #tpu.memory_space<vmem>> -> memref<1x400xi32, #tpu.memory_space<vmem>>
      %dma_start3A_47 = tpu.memref_squeeze %dma_start3A_46 : memref<1x400xi32, #tpu.memory_space<vmem>> -> memref<400xi32, #tpu.memory_space<vmem>>
      %dma_start3A_48 = tpu.memref_slice %arg2[%dma_start3A, %add3A_44] : memref<2x320000xi32, #tpu.memory_space<hbm>> -> memref<1x400xi32, #tpu.memory_space<hbm>>
      %dma_start3A_49 = tpu.memref_squeeze %dma_start3A_48 : memref<1x400xi32, #tpu.memory_space<hbm>> -> memref<400xi32, #tpu.memory_space<hbm>>
      %dma_start3A_50 = arith.constant 0 : i32
      %dma_start3A_51 = tpu.memref_slice %arg4[%add3A_39, %dma_start3A_50] : memref<25x400xi32, #tpu.memory_space<vmem>> -> memref<1x400xi32, #tpu.memory_space<vmem>>
      %dma_start3A_52 = tpu.memref_squeeze %dma_start3A_51 : memref<1x400xi32, #tpu.memory_space<vmem>> -> memref<400xi32, #tpu.memory_space<vmem>>
      %dma_start3A_53 = tpu.memref_slice %arg2[%dma_start3A, %add3A_44] : memref<2x320000xi32, #tpu.memory_space<hbm>> -> memref<1x400xi32, #tpu.memory_space<hbm>>
      %dma_start3A_54 = tpu.memref_squeeze %dma_start3A_53 : memref<1x400xi32, #tpu.memory_space<hbm>> -> memref<400xi32, #tpu.memory_space<hbm>>
      tpu.enqueue_dma source(%dma_start3A_54 : memref<400xi32, #tpu.memory_space<hbm>>) target(%dma_start3A_52 : memref<400xi32, #tpu.memory_space<vmem>>) target_semaphore(%arg8 : memref<!tpu.dma_semaphore, #tpu.memory_space<semaphore_mem>>)
    }
    %scan3A_19 = arith.constant 25 : i32
    %scan3A_20 = arith.constant 0 : i32
    %scan3A_21 = arith.constant 25 : i32
    %scan3A_22 = arith.addi %scan3A_20, %scan3A_21 : i32
    %scan3A_23 = arith.constant 1 : i32
    scf.for %scan3A_35 = %scan3A_20 to %scan3A_22 step %scan3A_23  : i32 {
      %mul3A_36 = arith.constant 1 : i32
      %mul3A_37 = arith.muli %scan3A_35, %mul3A_36 : i32
      %add3A_38 = arith.constant 0 : i32
      %add3A_39 = arith.addi %add3A_38, %mul3A_37 : i32
      %dma_wait3A = arith.constant 1 : i32
      %dma_wait3A_40 = arith.constant 0 : i32
      %dma_wait3A_41 = arith.constant 0 : i32
      %dma_wait3A_42 = tpu.memref_slice %arg4[%dma_wait3A_40, %dma_wait3A_41] : memref<25x400xi32, #tpu.memory_space<vmem>> -> memref<1x400xi32, #tpu.memory_space<vmem>>
      %dma_wait3A_43 = tpu.memref_squeeze %dma_wait3A_42 : memref<1x400xi32, #tpu.memory_space<vmem>> -> memref<400xi32, #tpu.memory_space<vmem>>
      %dma_wait3A_44 = arith.constant 0 : i32
      %dma_wait3A_45 = tpu.memref_slice %arg2[%dma_wait3A, %dma_wait3A_44] : memref<2x320000xi32, #tpu.memory_space<hbm>> -> memref<1x400xi32, #tpu.memory_space<hbm>>
      %dma_wait3A_46 = tpu.memref_squeeze %dma_wait3A_45 : memref<1x400xi32, #tpu.memory_space<hbm>> -> memref<400xi32, #tpu.memory_space<hbm>>
      %dma_wait3A_47 = arith.constant 0 : i32
      %dma_wait3A_48 = tpu.memref_slice %arg4[%dma_wait3A_40, %dma_wait3A_47] : memref<25x400xi32, #tpu.memory_space<vmem>> -> memref<1x400xi32, #tpu.memory_space<vmem>>
      %dma_wait3A_49 = tpu.memref_squeeze %dma_wait3A_48 : memref<1x400xi32, #tpu.memory_space<vmem>> -> memref<400xi32, #tpu.memory_space<vmem>>
      %dma_wait3A_50 = arith.constant 0 : i32
      %dma_wait3A_51 = tpu.memref_slice %arg2[%dma_wait3A, %dma_wait3A_50] : memref<2x320000xi32, #tpu.memory_space<hbm>> -> memref<1x400xi32, #tpu.memory_space<hbm>>
      %dma_wait3A_52 = tpu.memref_squeeze %dma_wait3A_51 : memref<1x400xi32, #tpu.memory_space<hbm>> -> memref<400xi32, #tpu.memory_space<hbm>>
      tpu.wait_dma2 semaphore(%arg8 : memref<!tpu.dma_semaphore, #tpu.memory_space<semaphore_mem>>) src(%dma_wait3A_52 : memref<400xi32, #tpu.memory_space<hbm>>) dst(%dma_wait3A_49 : memref<400xi32, #tpu.memory_space<vmem>>)
    }
    %scan3A_24 = arith.constant 25 : i32
    %barrier3A = arith.constant 0 : index
    tpu.barrier barrier_id(%barrier3A)
    %scan3A_25 = arith.constant 0 : i32
    %scan3A_26 = arith.constant 25 : i32
    %scan3A_27 = arith.addi %scan3A_25, %scan3A_26 : i32
    %scan3A_28 = arith.constant 1 : i32
    scf.for %scan3A_35 = %scan3A_25 to %scan3A_27 step %scan3A_28  : i32 {
      %mul3A_36 = arith.constant 1 : i32
      %mul3A_37 = arith.muli %scan3A_35, %mul3A_36 : i32
      %add3A_38 = arith.constant 0 : i32
      %add3A_39 = arith.addi %add3A_38, %mul3A_37 : i32
      "tpu.region"() ({
        %run_scoped3A = tpu.sem_alloc : memref<!tpu.dma_semaphore, #tpu.memory_space<semaphore_mem>>
        %dma_start3A = arith.constant 0 : i32
        %dma_start3A_40 = tpu.memref_slice %arg4[%add3A_39, %dma_start3A] : memref<25x400xi32, #tpu.memory_space<vmem>> -> memref<1x400xi32, #tpu.memory_space<vmem>>
        %dma_start3A_41 = tpu.memref_squeeze %dma_start3A_40 : memref<1x400xi32, #tpu.memory_space<vmem>> -> memref<400xi32, #tpu.memory_space<vmem>>
        %dma_start3A_42 = arith.constant 0 : i32
        %dma_start3A_43 = arith.constant 0 : i32
        %dma_start3A_44 = tpu.memref_slice %arg7[%dma_start3A_42, %dma_start3A_43] : memref<10000x16xf32, #tpu.memory_space<vmem_shared>> -> memref<10000x16xf32, #tpu.memory_space<vmem_shared>>
        tpu.enqueue_indirect_dma source(%arg5 : memref<400x16xf32, #tpu.memory_space<vmem>>) target(%dma_start3A_44 : memref<10000x16xf32, #tpu.memory_space<vmem_shared>>) offsets(%dma_start3A_41 : memref<400xi32, #tpu.memory_space<vmem>>) semaphore(%run_scoped3A : memref<!tpu.dma_semaphore, #tpu.memory_space<semaphore_mem>>) {add = true}
        %dma_wait3A = arith.constant 0 : i32
        %dma_wait3A_45 = tpu.memref_slice %arg4[%add3A_39, %dma_wait3A] : memref<25x400xi32, #tpu.memory_space<vmem>> -> memref<1x400xi32, #tpu.memory_space<vmem>>
        %dma_wait3A_46 = tpu.memref_squeeze %dma_wait3A_45 : memref<1x400xi32, #tpu.memory_space<vmem>> -> memref<400xi32, #tpu.memory_space<vmem>>
        %dma_wait3A_47 = arith.constant 0 : i32
        %dma_wait3A_48 = arith.constant 0 : i32
        %dma_wait3A_49 = tpu.memref_slice %arg7[%dma_wait3A_47, %dma_wait3A_48] : memref<10000x16xf32, #tpu.memory_space<vmem_shared>> -> memref<10000x16xf32, #tpu.memory_space<vmem_shared>>
        tpu.wait_indirect_dma semaphore(%run_scoped3A : memref<!tpu.dma_semaphore, #tpu.memory_space<semaphore_mem>>) src(%arg5 : memref<400x16xf32, #tpu.memory_space<vmem>>) dst(%dma_wait3A_49 : memref<10000x16xf32, #tpu.memory_space<vmem_shared>>)
        tpu.yield
      }) : () -> ()
    }
    %scan3A_29 = arith.constant 25 : i32
    %barrier3A_30 = arith.constant 0 : index
    tpu.barrier barrier_id(%barrier3A_30)
    %mul3A_31 = arith.constant 625 : i32
    %mul3A_32 = arith.muli %arg1, %mul3A_31 : i32
    %mul3A_33 = arith.constant 625 : i32
    %mul3A_34 = arith.muli %arg1, %mul3A_33 : i32
    "tpu.region"() ({
      %run_scoped3A = tpu.sem_alloc : memref<!tpu.dma_semaphore, #tpu.memory_space<semaphore_mem>>
      %dma_start3A = arith.constant 0 : i32
      %dma_start3A_35 = tpu.memref_slice %arg3[%arg0, %mul3A_34, %dma_start3A] : memref<2x10000x16xf32, #tpu.memory_space<hbm>> -> memref<1x625x16xf32, #tpu.memory_space<hbm>>
      %dma_start3A_36 = tpu.memref_squeeze %dma_start3A_35 : memref<1x625x16xf32, #tpu.memory_space<hbm>> -> memref<625x16xf32, #tpu.memory_space<hbm>>
      %dma_start3A_37 = arith.constant 0 : i32
      %dma_start3A_38 = tpu.memref_slice %arg7[%mul3A_32, %dma_start3A_37] : memref<10000x16xf32, #tpu.memory_space<vmem_shared>> -> memref<625x16xf32, #tpu.memory_space<vmem_shared>>
      tpu.enqueue_dma source(%dma_start3A_38 : memref<625x16xf32, #tpu.memory_space<vmem_shared>>) target(%dma_start3A_36 : memref<625x16xf32, #tpu.memory_space<hbm>>) target_semaphore(%run_scoped3A : memref<!tpu.dma_semaphore, #tpu.memory_space<semaphore_mem>>)
      %dma_wait3A = arith.constant 0 : i32
      %dma_wait3A_39 = tpu.memref_slice %arg3[%arg0, %mul3A_34, %dma_wait3A] : memref<2x10000x16xf32, #tpu.memory_space<hbm>> -> memref<1x625x16xf32, #tpu.memory_space<hbm>>
      %dma_wait3A_40 = tpu.memref_squeeze %dma_wait3A_39 : memref<1x625x16xf32, #tpu.memory_space<hbm>> -> memref<625x16xf32, #tpu.memory_space<hbm>>
      %dma_wait3A_41 = arith.constant 0 : i32
      %dma_wait3A_42 = tpu.memref_slice %arg7[%mul3A_32, %dma_wait3A_41] : memref<10000x16xf32, #tpu.memory_space<vmem_shared>> -> memref<625x16xf32, #tpu.memory_space<vmem_shared>>
      tpu.wait_dma2 semaphore(%run_scoped3A : memref<!tpu.dma_semaphore, #tpu.memory_space<semaphore_mem>>) src(%dma_wait3A_42 : memref<625x16xf32, #tpu.memory_space<vmem_shared>>) dst(%dma_wait3A_40 : memref<625x16xf32, #tpu.memory_space<hbm>>)
      tpu.yield
    }) : () -> ()
    return
  }
}

#map = affine_map<(d0, d1) -> (0, 0)>
#map1 = affine_map<(d0, d1) -> (0, 0, 0)>
module attributes {stable_mosaic.version = 14 : i64} {
  func.func @_sc_agg(%arg0: i32, %arg1: i32, %arg2: memref<10000x64xf32, #tpu.memory_space<hbm>>, %arg3: memref<2x320000xi32, #tpu.memory_space<hbm>>, %arg4: memref<2x10000x64xf32, #tpu.memory_space<hbm>>, %arg5: memref<25x400xi32, #tpu.memory_space<vmem>>, %arg6: memref<25x400xi32, #tpu.memory_space<vmem>>, %arg7: memref<400x64xf32, #tpu.memory_space<vmem>>, %arg8: memref<400x64xf32, #tpu.memory_space<vmem>>, %arg9: memref<125x64xf32, #tpu.memory_space<vmem>>, %arg10: memref<10000x64xf32, #tpu.memory_space<vmem_shared>>, %arg11: memref<!tpu.dma_semaphore, #tpu.memory_space<semaphore_mem>>, %arg12: memref<!tpu.dma_semaphore, #tpu.memory_space<semaphore_mem>>, %arg13: memref<!tpu.dma_semaphore, #tpu.memory_space<semaphore_mem>>) attributes {dimension_semantics = [#tpu.dimension_semantics<core_parallel>, #tpu.dimension_semantics<subcore_parallel>], iteration_bounds = array<i64: 2, 16>, scalar_prefetch = 0 : i64, scratch_operands = 9 : i64, tpu.core_type = #tpu.core_type<sc_vector_subcore>, window_params = [{transform_indices = #map}, {transform_indices = #map}, {transform_indices = #map1}]} {
    %mul3A = arith.constant 2 : i32
    %mul3A_0 = arith.muli %arg1, %mul3A : i32
    %add3A = arith.addi %mul3A_0, %arg0 : i32
    %scan3A = arith.constant 0 : i32
    %scan3A_1 = arith.constant 125 : i32
    %scan3A_2 = arith.addi %scan3A, %scan3A_1 : i32
    %scan3A_3 = arith.constant 1 : i32
    scf.for %scan3A_42 = %scan3A to %scan3A_2 step %scan3A_3  : i32 {
      %mul3A_43 = arith.constant 1 : i32
      %mul3A_44 = arith.muli %scan3A_42, %mul3A_43 : i32
      %add3A_45 = arith.constant 0 : i32
      %add3A_46 = arith.addi %add3A_45, %mul3A_44 : i32
      %scan3A_47 = arith.constant 0 : i32
      %scan3A_48 = arith.constant 4 : i32
      %scan3A_49 = arith.addi %scan3A_47, %scan3A_48 : i32
      %scan3A_50 = arith.constant 1 : i32
      scf.for %scan3A_52 = %scan3A_47 to %scan3A_49 step %scan3A_50  : i32 {
        %mul3A_53 = arith.constant 1 : i32
        %mul3A_54 = arith.muli %scan3A_52, %mul3A_53 : i32
        %add3A_55 = arith.constant 0 : i32
        %add3A_56 = arith.addi %add3A_55, %mul3A_54 : i32
        %broadcast_in_dim3A = arith.constant 0.000000e+00 : f32
        %broadcast_in_dim3A_57 = vector.broadcast %broadcast_in_dim3A : f32 to vector<16xf32>
        %mul3A_58 = arith.constant 16 : i32
        %mul3A_59 = arith.muli %add3A_56, %mul3A_58 : i32
        %swap3A = arith.index_cast %add3A_46 : i32 to index
        %swap3A_60 = arith.index_cast %mul3A_59 : i32 to index
        %swap3A_61 = tpu.vector_load %arg9[%swap3A, %swap3A_60] {strides = array<i32>} : memref<125x64xf32, #tpu.memory_space<vmem>>, vector<1x16xf32>,
        %swap3A_62 = vector.shape_cast %swap3A_61 : vector<1x16xf32> to vector<16xf32>
        %swap3A_63 = vector.shape_cast %broadcast_in_dim3A_57 : vector<16xf32> to vector<1x16xf32>
        tpu.vector_store %arg9[%swap3A, %swap3A_60], %swap3A_63 {strides = array<i32>} : memref<125x64xf32, #tpu.memory_space<vmem>>, vector<1x16xf32>,
      }
      %scan3A_51 = arith.constant 4 : i32
    }
    %scan3A_4 = arith.constant 125 : i32
    %scan3A_5 = arith.constant 0 : i32
    %scan3A_6 = arith.constant 5 : i32
    %scan3A_7 = arith.addi %scan3A_5, %scan3A_6 : i32
    %scan3A_8 = arith.constant 1 : i32
    scf.for %scan3A_42 = %scan3A_5 to %scan3A_7 step %scan3A_8  : i32 {
      %mul3A_43 = arith.constant 1 : i32
      %mul3A_44 = arith.muli %scan3A_42, %mul3A_43 : i32
      %add3A_45 = arith.constant 0 : i32
      %add3A_46 = arith.addi %add3A_45, %mul3A_44 : i32
      %mul3A_47 = arith.constant 625 : i32
      %mul3A_48 = arith.muli %arg1, %mul3A_47 : i32
      %mul3A_49 = arith.constant 125 : i32
      %mul3A_50 = arith.muli %add3A_46, %mul3A_49 : i32
      %add3A_51 = arith.addi %mul3A_48, %mul3A_50 : i32
      "tpu.region"() ({
        %run_scoped3A_52 = tpu.sem_alloc : memref<!tpu.dma_semaphore, #tpu.memory_space<semaphore_mem>>
        %dma_start3A_53 = arith.constant 0 : i32
        %dma_start3A_54 = tpu.memref_slice %arg10[%add3A_51, %dma_start3A_53] : memref<10000x64xf32, #tpu.memory_space<vmem_shared>> -> memref<125x64xf32, #tpu.memory_space<vmem_shared>>
        %dma_start3A_55 = arith.constant 0 : i32
        %dma_start3A_56 = tpu.memref_slice %arg10[%add3A_51, %dma_start3A_55] : memref<10000x64xf32, #tpu.memory_space<vmem_shared>> -> memref<125x64xf32, #tpu.memory_space<vmem_shared>>
        tpu.enqueue_dma source(%arg9 : memref<125x64xf32, #tpu.memory_space<vmem>>) target(%dma_start3A_56 : memref<125x64xf32, #tpu.memory_space<vmem_shared>>) target_semaphore(%run_scoped3A_52 : memref<!tpu.dma_semaphore, #tpu.memory_space<semaphore_mem>>)
        %dma_wait3A_57 = arith.constant 0 : i32
        %dma_wait3A_58 = tpu.memref_slice %arg10[%add3A_51, %dma_wait3A_57] : memref<10000x64xf32, #tpu.memory_space<vmem_shared>> -> memref<125x64xf32, #tpu.memory_space<vmem_shared>>
        %dma_wait3A_59 = arith.constant 0 : i32
        %dma_wait3A_60 = tpu.memref_slice %arg10[%add3A_51, %dma_wait3A_59] : memref<10000x64xf32, #tpu.memory_space<vmem_shared>> -> memref<125x64xf32, #tpu.memory_space<vmem_shared>>
        tpu.wait_dma2 semaphore(%run_scoped3A_52 : memref<!tpu.dma_semaphore, #tpu.memory_space<semaphore_mem>>) src(%arg9 : memref<125x64xf32, #tpu.memory_space<vmem>>) dst(%dma_wait3A_60 : memref<125x64xf32, #tpu.memory_space<vmem_shared>>)
        tpu.yield
      }) : () -> ()
    }
    %scan3A_9 = arith.constant 5 : i32
    %scan3A_10 = arith.constant 0 : i32
    %scan3A_11 = arith.constant 25 : i32
    %scan3A_12 = arith.addi %scan3A_10, %scan3A_11 : i32
    %scan3A_13 = arith.constant 1 : i32
    scf.for %scan3A_42 = %scan3A_10 to %scan3A_12 step %scan3A_13  : i32 {
      %mul3A_43 = arith.constant 1 : i32
      %mul3A_44 = arith.muli %scan3A_42, %mul3A_43 : i32
      %add3A_45 = arith.constant 0 : i32
      %add3A_46 = arith.addi %add3A_45, %mul3A_44 : i32
      %mul3A_47 = arith.constant 10000 : i32
      %mul3A_48 = arith.muli %add3A, %mul3A_47 : i32
      %mul3A_49 = arith.constant 400 : i32
      %mul3A_50 = arith.muli %add3A_46, %mul3A_49 : i32
      %add3A_51 = arith.addi %mul3A_48, %mul3A_50 : i32
      %dma_start3A_52 = arith.constant 0 : i32
      %dma_start3A_53 = arith.constant 0 : i32
      %dma_start3A_54 = tpu.memref_slice %arg5[%add3A_46, %dma_start3A_53] : memref<25x400xi32, #tpu.memory_space<vmem>> -> memref<1x400xi32, #tpu.memory_space<vmem>>
      %dma_start3A_55 = tpu.memref_squeeze %dma_start3A_54 : memref<1x400xi32, #tpu.memory_space<vmem>> -> memref<400xi32, #tpu.memory_space<vmem>>
      %dma_start3A_56 = tpu.memref_slice %arg3[%dma_start3A_52, %add3A_51] : memref<2x320000xi32, #tpu.memory_space<hbm>> -> memref<1x400xi32, #tpu.memory_space<hbm>>
      %dma_start3A_57 = tpu.memref_squeeze %dma_start3A_56 : memref<1x400xi32, #tpu.memory_space<hbm>> -> memref<400xi32, #tpu.memory_space<hbm>>
      %dma_start3A_58 = arith.constant 0 : i32
      %dma_start3A_59 = tpu.memref_slice %arg5[%add3A_46, %dma_start3A_58] : memref<25x400xi32, #tpu.memory_space<vmem>> -> memref<1x400xi32, #tpu.memory_space<vmem>>
      %dma_start3A_60 = tpu.memref_squeeze %dma_start3A_59 : memref<1x400xi32, #tpu.memory_space<vmem>> -> memref<400xi32, #tpu.memory_space<vmem>>
      %dma_start3A_61 = tpu.memref_slice %arg3[%dma_start3A_52, %add3A_51] : memref<2x320000xi32, #tpu.memory_space<hbm>> -> memref<1x400xi32, #tpu.memory_space<hbm>>
      %dma_start3A_62 = tpu.memref_squeeze %dma_start3A_61 : memref<1x400xi32, #tpu.memory_space<hbm>> -> memref<400xi32, #tpu.memory_space<hbm>>
      tpu.enqueue_dma source(%dma_start3A_62 : memref<400xi32, #tpu.memory_space<hbm>>) target(%dma_start3A_60 : memref<400xi32, #tpu.memory_space<vmem>>) target_semaphore(%arg13 : memref<!tpu.dma_semaphore, #tpu.memory_space<semaphore_mem>>)
      %dma_start3A_63 = arith.constant 1 : i32
      %dma_start3A_64 = arith.constant 0 : i32
      %dma_start3A_65 = tpu.memref_slice %arg6[%add3A_46, %dma_start3A_64] : memref<25x400xi32, #tpu.memory_space<vmem>> -> memref<1x400xi32, #tpu.memory_space<vmem>>
      %dma_start3A_66 = tpu.memref_squeeze %dma_start3A_65 : memref<1x400xi32, #tpu.memory_space<vmem>> -> memref<400xi32, #tpu.memory_space<vmem>>
      %dma_start3A_67 = tpu.memref_slice %arg3[%dma_start3A_63, %add3A_51] : memref<2x320000xi32, #tpu.memory_space<hbm>> -> memref<1x400xi32, #tpu.memory_space<hbm>>
      %dma_start3A_68 = tpu.memref_squeeze %dma_start3A_67 : memref<1x400xi32, #tpu.memory_space<hbm>> -> memref<400xi32, #tpu.memory_space<hbm>>
      %dma_start3A_69 = arith.constant 0 : i32
      %dma_start3A_70 = tpu.memref_slice %arg6[%add3A_46, %dma_start3A_69] : memref<25x400xi32, #tpu.memory_space<vmem>> -> memref<1x400xi32, #tpu.memory_space<vmem>>
      %dma_start3A_71 = tpu.memref_squeeze %dma_start3A_70 : memref<1x400xi32, #tpu.memory_space<vmem>> -> memref<400xi32, #tpu.memory_space<vmem>>
      %dma_start3A_72 = tpu.memref_slice %arg3[%dma_start3A_63, %add3A_51] : memref<2x320000xi32, #tpu.memory_space<hbm>> -> memref<1x400xi32, #tpu.memory_space<hbm>>
      %dma_start3A_73 = tpu.memref_squeeze %dma_start3A_72 : memref<1x400xi32, #tpu.memory_space<hbm>> -> memref<400xi32, #tpu.memory_space<hbm>>
      tpu.enqueue_dma source(%dma_start3A_73 : memref<400xi32, #tpu.memory_space<hbm>>) target(%dma_start3A_71 : memref<400xi32, #tpu.memory_space<vmem>>) target_semaphore(%arg13 : memref<!tpu.dma_semaphore, #tpu.memory_space<semaphore_mem>>)
    }
    %scan3A_14 = arith.constant 25 : i32
    %scan3A_15 = arith.constant 0 : i32
    %scan3A_16 = arith.constant 50 : i32
    %scan3A_17 = arith.addi %scan3A_15, %scan3A_16 : i32
    %scan3A_18 = arith.constant 1 : i32
    scf.for %scan3A_42 = %scan3A_15 to %scan3A_17 step %scan3A_18  : i32 {
      %mul3A_43 = arith.constant 1 : i32
      %mul3A_44 = arith.muli %scan3A_42, %mul3A_43 : i32
      %add3A_45 = arith.constant 0 : i32
      %add3A_46 = arith.addi %add3A_45, %mul3A_44 : i32
      %dma_wait3A_47 = arith.constant 0 : i32
      %dma_wait3A_48 = arith.constant 0 : i32
      %dma_wait3A_49 = arith.constant 0 : i32
      %dma_wait3A_50 = tpu.memref_slice %arg5[%dma_wait3A_48, %dma_wait3A_49] : memref<25x400xi32, #tpu.memory_space<vmem>> -> memref<1x400xi32, #tpu.memory_space<vmem>>
      %dma_wait3A_51 = tpu.memref_squeeze %dma_wait3A_50 : memref<1x400xi32, #tpu.memory_space<vmem>> -> memref<400xi32, #tpu.memory_space<vmem>>
      %dma_wait3A_52 = arith.constant 0 : i32
      %dma_wait3A_53 = tpu.memref_slice %arg3[%dma_wait3A_47, %dma_wait3A_52] : memref<2x320000xi32, #tpu.memory_space<hbm>> -> memref<1x400xi32, #tpu.memory_space<hbm>>
      %dma_wait3A_54 = tpu.memref_squeeze %dma_wait3A_53 : memref<1x400xi32, #tpu.memory_space<hbm>> -> memref<400xi32, #tpu.memory_space<hbm>>
      %dma_wait3A_55 = arith.constant 0 : i32
      %dma_wait3A_56 = tpu.memref_slice %arg5[%dma_wait3A_48, %dma_wait3A_55] : memref<25x400xi32, #tpu.memory_space<vmem>> -> memref<1x400xi32, #tpu.memory_space<vmem>>
      %dma_wait3A_57 = tpu.memref_squeeze %dma_wait3A_56 : memref<1x400xi32, #tpu.memory_space<vmem>> -> memref<400xi32, #tpu.memory_space<vmem>>
      %dma_wait3A_58 = arith.constant 0 : i32
      %dma_wait3A_59 = tpu.memref_slice %arg3[%dma_wait3A_47, %dma_wait3A_58] : memref<2x320000xi32, #tpu.memory_space<hbm>> -> memref<1x400xi32, #tpu.memory_space<hbm>>
      %dma_wait3A_60 = tpu.memref_squeeze %dma_wait3A_59 : memref<1x400xi32, #tpu.memory_space<hbm>> -> memref<400xi32, #tpu.memory_space<hbm>>
      tpu.wait_dma2 semaphore(%arg13 : memref<!tpu.dma_semaphore, #tpu.memory_space<semaphore_mem>>) src(%dma_wait3A_60 : memref<400xi32, #tpu.memory_space<hbm>>) dst(%dma_wait3A_57 : memref<400xi32, #tpu.memory_space<vmem>>)
    }
    %scan3A_19 = arith.constant 50 : i32
    %barrier3A = arith.constant 0 : index
    tpu.barrier barrier_id(%barrier3A)
    %dma_start3A = arith.constant 0 : i32
    %dma_start3A_20 = arith.constant 0 : i32
    %dma_start3A_21 = tpu.memref_slice %arg5[%dma_start3A, %dma_start3A_20] : memref<25x400xi32, #tpu.memory_space<vmem>> -> memref<1x400xi32, #tpu.memory_space<vmem>>
    %dma_start3A_22 = tpu.memref_squeeze %dma_start3A_21 : memref<1x400xi32, #tpu.memory_space<vmem>> -> memref<400xi32, #tpu.memory_space<vmem>>
    %dma_start3A_23 = arith.constant 0 : i32
    %dma_start3A_24 = arith.constant 0 : i32
    %dma_start3A_25 = tpu.memref_slice %arg2[%dma_start3A_23, %dma_start3A_24] : memref<10000x64xf32, #tpu.memory_space<hbm>> -> memref<10000x64xf32, #tpu.memory_space<hbm>>
    tpu.enqueue_indirect_dma source(%dma_start3A_25 : memref<10000x64xf32, #tpu.memory_space<hbm>>) target(%arg7 : memref<400x64xf32, #tpu.memory_space<vmem>>) offsets(%dma_start3A_22 : memref<400xi32, #tpu.memory_space<vmem>>) semaphore(%arg11 : memref<!tpu.dma_semaphore, #tpu.memory_space<semaphore_mem>>)
    %scan3A_26 = arith.constant 0 : i32
    %scan3A_27 = arith.constant 12 : i32
    %scan3A_28 = arith.addi %scan3A_26, %scan3A_27 : i32
    %scan3A_29 = arith.constant 1 : i32
    scf.for %scan3A_42 = %scan3A_26 to %scan3A_28 step %scan3A_29  : i32 {
      %mul3A_43 = arith.constant 1 : i32
      %mul3A_44 = arith.muli %scan3A_42, %mul3A_43 : i32
      %add3A_45 = arith.constant 0 : i32
      %add3A_46 = arith.addi %add3A_45, %mul3A_44 : i32
      %mul3A_47 = arith.constant 2 : i32
      %mul3A_48 = arith.muli %mul3A_47, %add3A_46 : i32
      %add3A_49 = arith.constant 1 : i32
      %add3A_50 = arith.addi %mul3A_48, %add3A_49 : i32
      %dma_start3A_51 = arith.constant 0 : i32
      %dma_start3A_52 = tpu.memref_slice %arg5[%add3A_50, %dma_start3A_51] : memref<25x400xi32, #tpu.memory_space<vmem>> -> memref<1x400xi32, #tpu.memory_space<vmem>>
      %dma_start3A_53 = tpu.memref_squeeze %dma_start3A_52 : memref<1x400xi32, #tpu.memory_space<vmem>> -> memref<400xi32, #tpu.memory_space<vmem>>
      %dma_start3A_54 = arith.constant 0 : i32
      %dma_start3A_55 = arith.constant 0 : i32
      %dma_start3A_56 = tpu.memref_slice %arg2[%dma_start3A_54, %dma_start3A_55] : memref<10000x64xf32, #tpu.memory_space<hbm>> -> memref<10000x64xf32, #tpu.memory_space<hbm>>
      tpu.enqueue_indirect_dma source(%dma_start3A_56 : memref<10000x64xf32, #tpu.memory_space<hbm>>) target(%arg8 : memref<400x64xf32, #tpu.memory_space<vmem>>) offsets(%dma_start3A_53 : memref<400xi32, #tpu.memory_space<vmem>>) semaphore(%arg12 : memref<!tpu.dma_semaphore, #tpu.memory_space<semaphore_mem>>)
      %dma_wait3A_57 = arith.constant 0 : i32
      %dma_wait3A_58 = tpu.memref_slice %arg5[%mul3A_48, %dma_wait3A_57] : memref<25x400xi32, #tpu.memory_space<vmem>> -> memref<1x400xi32, #tpu.memory_space<vmem>>
      %dma_wait3A_59 = tpu.memref_squeeze %dma_wait3A_58 : memref<1x400xi32, #tpu.memory_space<vmem>> -> memref<400xi32, #tpu.memory_space<vmem>>
      %dma_wait3A_60 = arith.constant 0 : i32
      %dma_wait3A_61 = arith.constant 0 : i32
      %dma_wait3A_62 = tpu.memref_slice %arg2[%dma_wait3A_60, %dma_wait3A_61] : memref<10000x64xf32, #tpu.memory_space<hbm>> -> memref<10000x64xf32, #tpu.memory_space<hbm>>
      tpu.wait_indirect_dma semaphore(%arg11 : memref<!tpu.dma_semaphore, #tpu.memory_space<semaphore_mem>>) src(%dma_wait3A_62 : memref<10000x64xf32, #tpu.memory_space<hbm>>) dst(%arg7 : memref<400x64xf32, #tpu.memory_space<vmem>>)
      "tpu.region"() ({
        %run_scoped3A_81 = tpu.sem_alloc : memref<!tpu.dma_semaphore, #tpu.memory_space<semaphore_mem>>
        %dma_start3A_82 = arith.constant 0 : i32
        %dma_start3A_83 = tpu.memref_slice %arg6[%mul3A_48, %dma_start3A_82] : memref<25x400xi32, #tpu.memory_space<vmem>> -> memref<1x400xi32, #tpu.memory_space<vmem>>
        %dma_start3A_84 = tpu.memref_squeeze %dma_start3A_83 : memref<1x400xi32, #tpu.memory_space<vmem>> -> memref<400xi32, #tpu.memory_space<vmem>>
        %dma_start3A_85 = arith.constant 0 : i32
        %dma_start3A_86 = arith.constant 0 : i32
        %dma_start3A_87 = tpu.memref_slice %arg10[%dma_start3A_85, %dma_start3A_86] : memref<10000x64xf32, #tpu.memory_space<vmem_shared>> -> memref<10000x64xf32, #tpu.memory_space<vmem_shared>>
        tpu.enqueue_indirect_dma source(%arg7 : memref<400x64xf32, #tpu.memory_space<vmem>>) target(%dma_start3A_87 : memref<10000x64xf32, #tpu.memory_space<vmem_shared>>) offsets(%dma_start3A_84 : memref<400xi32, #tpu.memory_space<vmem>>) semaphore(%run_scoped3A_81 : memref<!tpu.dma_semaphore, #tpu.memory_space<semaphore_mem>>) {add = true}
        %dma_wait3A_88 = arith.constant 0 : i32
        %dma_wait3A_89 = tpu.memref_slice %arg6[%mul3A_48, %dma_wait3A_88] : memref<25x400xi32, #tpu.memory_space<vmem>> -> memref<1x400xi32, #tpu.memory_space<vmem>>
        %dma_wait3A_90 = tpu.memref_squeeze %dma_wait3A_89 : memref<1x400xi32, #tpu.memory_space<vmem>> -> memref<400xi32, #tpu.memory_space<vmem>>
        %dma_wait3A_91 = arith.constant 0 : i32
        %dma_wait3A_92 = arith.constant 0 : i32
        %dma_wait3A_93 = tpu.memref_slice %arg10[%dma_wait3A_91, %dma_wait3A_92] : memref<10000x64xf32, #tpu.memory_space<vmem_shared>> -> memref<10000x64xf32, #tpu.memory_space<vmem_shared>>
        tpu.wait_indirect_dma semaphore(%run_scoped3A_81 : memref<!tpu.dma_semaphore, #tpu.memory_space<semaphore_mem>>) src(%arg7 : memref<400x64xf32, #tpu.memory_space<vmem>>) dst(%dma_wait3A_93 : memref<10000x64xf32, #tpu.memory_space<vmem_shared>>)
        tpu.yield
      }) : () -> ()
      %add3A_63 = arith.constant 2 : i32
      %add3A_64 = arith.addi %mul3A_48, %add3A_63 : i32
      %dma_start3A_65 = arith.constant 0 : i32
      %dma_start3A_66 = tpu.memref_slice %arg5[%add3A_64, %dma_start3A_65] : memref<25x400xi32, #tpu.memory_space<vmem>> -> memref<1x400xi32, #tpu.memory_space<vmem>>
      %dma_start3A_67 = tpu.memref_squeeze %dma_start3A_66 : memref<1x400xi32, #tpu.memory_space<vmem>> -> memref<400xi32, #tpu.memory_space<vmem>>
      %dma_start3A_68 = arith.constant 0 : i32
      %dma_start3A_69 = arith.constant 0 : i32
      %dma_start3A_70 = tpu.memref_slice %arg2[%dma_start3A_68, %dma_start3A_69] : memref<10000x64xf32, #tpu.memory_space<hbm>> -> memref<10000x64xf32, #tpu.memory_space<hbm>>
      tpu.enqueue_indirect_dma source(%dma_start3A_70 : memref<10000x64xf32, #tpu.memory_space<hbm>>) target(%arg7 : memref<400x64xf32, #tpu.memory_space<vmem>>) offsets(%dma_start3A_67 : memref<400xi32, #tpu.memory_space<vmem>>) semaphore(%arg11 : memref<!tpu.dma_semaphore, #tpu.memory_space<semaphore_mem>>)
      %add3A_71 = arith.constant 1 : i32
      %add3A_72 = arith.addi %mul3A_48, %add3A_71 : i32
      %dma_wait3A_73 = arith.constant 0 : i32
      %dma_wait3A_74 = tpu.memref_slice %arg5[%add3A_72, %dma_wait3A_73] : memref<25x400xi32, #tpu.memory_space<vmem>> -> memref<1x400xi32, #tpu.memory_space<vmem>>
      %dma_wait3A_75 = tpu.memref_squeeze %dma_wait3A_74 : memref<1x400xi32, #tpu.memory_space<vmem>> -> memref<400xi32, #tpu.memory_space<vmem>>
      %dma_wait3A_76 = arith.constant 0 : i32
      %dma_wait3A_77 = arith.constant 0 : i32
      %dma_wait3A_78 = tpu.memref_slice %arg2[%dma_wait3A_76, %dma_wait3A_77] : memref<10000x64xf32, #tpu.memory_space<hbm>> -> memref<10000x64xf32, #tpu.memory_space<hbm>>
      tpu.wait_indirect_dma semaphore(%arg12 : memref<!tpu.dma_semaphore, #tpu.memory_space<semaphore_mem>>) src(%dma_wait3A_78 : memref<10000x64xf32, #tpu.memory_space<hbm>>) dst(%arg8 : memref<400x64xf32, #tpu.memory_space<vmem>>)
      %add3A_79 = arith.constant 1 : i32
      %add3A_80 = arith.addi %mul3A_48, %add3A_79 : i32
      "tpu.region"() ({
        %run_scoped3A_81 = tpu.sem_alloc : memref<!tpu.dma_semaphore, #tpu.memory_space<semaphore_mem>>
        %dma_start3A_82 = arith.constant 0 : i32
        %dma_start3A_83 = tpu.memref_slice %arg6[%add3A_80, %dma_start3A_82] : memref<25x400xi32, #tpu.memory_space<vmem>> -> memref<1x400xi32, #tpu.memory_space<vmem>>
        %dma_start3A_84 = tpu.memref_squeeze %dma_start3A_83 : memref<1x400xi32, #tpu.memory_space<vmem>> -> memref<400xi32, #tpu.memory_space<vmem>>
        %dma_start3A_85 = arith.constant 0 : i32
        %dma_start3A_86 = arith.constant 0 : i32
        %dma_start3A_87 = tpu.memref_slice %arg10[%dma_start3A_85, %dma_start3A_86] : memref<10000x64xf32, #tpu.memory_space<vmem_shared>> -> memref<10000x64xf32, #tpu.memory_space<vmem_shared>>
        tpu.enqueue_indirect_dma source(%arg8 : memref<400x64xf32, #tpu.memory_space<vmem>>) target(%dma_start3A_87 : memref<10000x64xf32, #tpu.memory_space<vmem_shared>>) offsets(%dma_start3A_84 : memref<400xi32, #tpu.memory_space<vmem>>) semaphore(%run_scoped3A_81 : memref<!tpu.dma_semaphore, #tpu.memory_space<semaphore_mem>>) {add = true}
        %dma_wait3A_88 = arith.constant 0 : i32
        %dma_wait3A_89 = tpu.memref_slice %arg6[%add3A_80, %dma_wait3A_88] : memref<25x400xi32, #tpu.memory_space<vmem>> -> memref<1x400xi32, #tpu.memory_space<vmem>>
        %dma_wait3A_90 = tpu.memref_squeeze %dma_wait3A_89 : memref<1x400xi32, #tpu.memory_space<vmem>> -> memref<400xi32, #tpu.memory_space<vmem>>
        %dma_wait3A_91 = arith.constant 0 : i32
        %dma_wait3A_92 = arith.constant 0 : i32
        %dma_wait3A_93 = tpu.memref_slice %arg10[%dma_wait3A_91, %dma_wait3A_92] : memref<10000x64xf32, #tpu.memory_space<vmem_shared>> -> memref<10000x64xf32, #tpu.memory_space<vmem_shared>>
        tpu.wait_indirect_dma semaphore(%run_scoped3A_81 : memref<!tpu.dma_semaphore, #tpu.memory_space<semaphore_mem>>) src(%arg8 : memref<400x64xf32, #tpu.memory_space<vmem>>) dst(%dma_wait3A_93 : memref<10000x64xf32, #tpu.memory_space<vmem_shared>>)
        tpu.yield
      }) : () -> ()
    }
    %scan3A_30 = arith.constant 12 : i32
    %dma_wait3A = arith.constant 24 : i32
    %dma_wait3A_31 = arith.constant 0 : i32
    %dma_wait3A_32 = tpu.memref_slice %arg5[%dma_wait3A, %dma_wait3A_31] : memref<25x400xi32, #tpu.memory_space<vmem>> -> memref<1x400xi32, #tpu.memory_space<vmem>>
    %dma_wait3A_33 = tpu.memref_squeeze %dma_wait3A_32 : memref<1x400xi32, #tpu.memory_space<vmem>> -> memref<400xi32, #tpu.memory_space<vmem>>
    %dma_wait3A_34 = arith.constant 0 : i32
    %dma_wait3A_35 = arith.constant 0 : i32
    %dma_wait3A_36 = tpu.memref_slice %arg2[%dma_wait3A_34, %dma_wait3A_35] : memref<10000x64xf32, #tpu.memory_space<hbm>> -> memref<10000x64xf32, #tpu.memory_space<hbm>>
    tpu.wait_indirect_dma semaphore(%arg11 : memref<!tpu.dma_semaphore, #tpu.memory_space<semaphore_mem>>) src(%dma_wait3A_36 : memref<10000x64xf32, #tpu.memory_space<hbm>>) dst(%arg7 : memref<400x64xf32, #tpu.memory_space<vmem>>)
    %run_scoped3A = arith.constant 24 : i32
    "tpu.region"() ({
      %run_scoped3A_42 = tpu.sem_alloc : memref<!tpu.dma_semaphore, #tpu.memory_space<semaphore_mem>>
      %dma_start3A_43 = arith.constant 0 : i32
      %dma_start3A_44 = tpu.memref_slice %arg6[%run_scoped3A, %dma_start3A_43] : memref<25x400xi32, #tpu.memory_space<vmem>> -> memref<1x400xi32, #tpu.memory_space<vmem>>
      %dma_start3A_45 = tpu.memref_squeeze %dma_start3A_44 : memref<1x400xi32, #tpu.memory_space<vmem>> -> memref<400xi32, #tpu.memory_space<vmem>>
      %dma_start3A_46 = arith.constant 0 : i32
      %dma_start3A_47 = arith.constant 0 : i32
      %dma_start3A_48 = tpu.memref_slice %arg10[%dma_start3A_46, %dma_start3A_47] : memref<10000x64xf32, #tpu.memory_space<vmem_shared>> -> memref<10000x64xf32, #tpu.memory_space<vmem_shared>>
      tpu.enqueue_indirect_dma source(%arg7 : memref<400x64xf32, #tpu.memory_space<vmem>>) target(%dma_start3A_48 : memref<10000x64xf32, #tpu.memory_space<vmem_shared>>) offsets(%dma_start3A_45 : memref<400xi32, #tpu.memory_space<vmem>>) semaphore(%run_scoped3A_42 : memref<!tpu.dma_semaphore, #tpu.memory_space<semaphore_mem>>) {add = true}
      %dma_wait3A_49 = arith.constant 0 : i32
      %dma_wait3A_50 = tpu.memref_slice %arg6[%run_scoped3A, %dma_wait3A_49] : memref<25x400xi32, #tpu.memory_space<vmem>> -> memref<1x400xi32, #tpu.memory_space<vmem>>
      %dma_wait3A_51 = tpu.memref_squeeze %dma_wait3A_50 : memref<1x400xi32, #tpu.memory_space<vmem>> -> memref<400xi32, #tpu.memory_space<vmem>>
      %dma_wait3A_52 = arith.constant 0 : i32
      %dma_wait3A_53 = arith.constant 0 : i32
      %dma_wait3A_54 = tpu.memref_slice %arg10[%dma_wait3A_52, %dma_wait3A_53] : memref<10000x64xf32, #tpu.memory_space<vmem_shared>> -> memref<10000x64xf32, #tpu.memory_space<vmem_shared>>
      tpu.wait_indirect_dma semaphore(%run_scoped3A_42 : memref<!tpu.dma_semaphore, #tpu.memory_space<semaphore_mem>>) src(%arg7 : memref<400x64xf32, #tpu.memory_space<vmem>>) dst(%dma_wait3A_54 : memref<10000x64xf32, #tpu.memory_space<vmem_shared>>)
      tpu.yield
    }) : () -> ()
    %barrier3A_37 = arith.constant 0 : index
    tpu.barrier barrier_id(%barrier3A_37)
    %mul3A_38 = arith.constant 625 : i32
    %mul3A_39 = arith.muli %arg1, %mul3A_38 : i32
    %mul3A_40 = arith.constant 625 : i32
    %mul3A_41 = arith.muli %arg1, %mul3A_40 : i32
    "tpu.region"() ({
      %run_scoped3A_42 = tpu.sem_alloc : memref<!tpu.dma_semaphore, #tpu.memory_space<semaphore_mem>>
      %dma_start3A_43 = arith.constant 0 : i32
      %dma_start3A_44 = tpu.memref_slice %arg4[%arg0, %mul3A_41, %dma_start3A_43] : memref<2x10000x64xf32, #tpu.memory_space<hbm>> -> memref<1x625x64xf32, #tpu.memory_space<hbm>>
      %dma_start3A_45 = tpu.memref_squeeze %dma_start3A_44 : memref<1x625x64xf32, #tpu.memory_space<hbm>> -> memref<625x64xf32, #tpu.memory_space<hbm>>
      %dma_start3A_46 = arith.constant 0 : i32
      %dma_start3A_47 = tpu.memref_slice %arg10[%mul3A_39, %dma_start3A_46] : memref<10000x64xf32, #tpu.memory_space<vmem_shared>> -> memref<625x64xf32, #tpu.memory_space<vmem_shared>>
      tpu.enqueue_dma source(%dma_start3A_47 : memref<625x64xf32, #tpu.memory_space<vmem_shared>>) target(%dma_start3A_45 : memref<625x64xf32, #tpu.memory_space<hbm>>) target_semaphore(%run_scoped3A_42 : memref<!tpu.dma_semaphore, #tpu.memory_space<semaphore_mem>>)
      %dma_wait3A_48 = arith.constant 0 : i32
      %dma_wait3A_49 = tpu.memref_slice %arg4[%arg0, %mul3A_41, %dma_wait3A_48] : memref<2x10000x64xf32, #tpu.memory_space<hbm>> -> memref<1x625x64xf32, #tpu.memory_space<hbm>>
      %dma_wait3A_50 = tpu.memref_squeeze %dma_wait3A_49 : memref<1x625x64xf32, #tpu.memory_space<hbm>> -> memref<625x64xf32, #tpu.memory_space<hbm>>
      %dma_wait3A_51 = arith.constant 0 : i32
      %dma_wait3A_52 = tpu.memref_slice %arg10[%mul3A_39, %dma_wait3A_51] : memref<10000x64xf32, #tpu.memory_space<vmem_shared>> -> memref<625x64xf32, #tpu.memory_space<vmem_shared>>
      tpu.wait_dma2 semaphore(%run_scoped3A_42 : memref<!tpu.dma_semaphore, #tpu.memory_space<semaphore_mem>>) src(%dma_wait3A_52 : memref<625x64xf32, #tpu.memory_space<vmem_shared>>) dst(%dma_wait3A_50 : memref<625x64xf32, #tpu.memory_space<hbm>>)
      tpu.yield
    }) : () -> ()
    return
  }
}

module attributes {stable_mosaic.version = 14 : i64} {
  func.func @_mm_body(%arg0: i32, %arg1: memref<1000x128xf32, #tpu.memory_space<vmem>>, %arg2: memref<128x64xf32, #tpu.memory_space<vmem>>, %arg3: memref<1000x64xf32, #tpu.memory_space<vmem>>) attributes {dimension_semantics = [#tpu.dimension_semantics<arbitrary>], iteration_bounds = array<i64: 10>, scalar_prefetch = 0 : i64, scratch_operands = 0 : i64, tpu.core_type = #tpu.core_type<tc>, window_params = [{transform_indices = @transform_0, window_bounds = array<i64: 1000, 128>}, {pipeline_mode = #tpu.pipeline_mode<synchronous>, transform_indices = @transform_1, window_bounds = array<i64: 128, 64>}, {transform_indices = @transform_2, window_bounds = array<i64: 1000, 64>}]} {
    %get3A = arith.constant 0 : index
    %get3A_0 = arith.constant 0 : index
    %get3A_1 = vector.load %arg1[%get3A, %get3A_0] : memref<1000x128xf32, #tpu.memory_space<vmem>>, vector<1000x128xf32>
    %get3A_2 = arith.constant 0 : index
    %get3A_3 = arith.constant 0 : index
    %get3A_4 = vector.load %arg2[%get3A_2, %get3A_3] : memref<128x64xf32, #tpu.memory_space<vmem>>, vector<128x64xf32>
    %dot_general3A = arith.constant dense<0.000000e+00> : vector<1000x64xf32>
    %dot_general3A_5 = tpu.matmul %get3A_1, %get3A_4, %dot_general3A {dimension_numbers = #tpu.dot_dimension_numbers<[1], [0], [0], [1], [0, 0, 1, 1], [], []>, transpose_lhs_hint = false} : vector<1000x128xf32>, vector<128x64xf32>, vector<1000x64xf32> -> vector<1000x64xf32>
    %swap3A = arith.constant 0 : index
    %swap3A_6 = arith.constant 0 : index
    %swap3A_7 = vector.load %arg3[%swap3A, %swap3A_6] : memref<1000x64xf32, #tpu.memory_space<vmem>>, vector<1000x64xf32>
    tpu.vector_store %arg3[%swap3A, %swap3A_6], %dot_general3A_5 {strides = array<i32>} : memref<1000x64xf32, #tpu.memory_space<vmem>>, vector<1000x64xf32>,
    return
  }
  func.func @transform_0(%arg0: i32) -> (i32, i32) {
    %c0_i32 = arith.constant 0 : i32
    %c0_i32_0 = arith.constant 0 : i32
    return %arg0, %c0_i32 : i32, i32
  }
  func.func @transform_1(%arg0: i32) -> (i32, i32) {
    %c0_i32 = arith.constant 0 : i32
    %c0_i32_0 = arith.constant 0 : i32
    %c0_i32_1 = arith.constant 0 : i32
    return %c0_i32, %c0_i32_0 : i32, i32
  }
  func.func @transform_2(%arg0: i32) -> (i32, i32) {
    %c0_i32 = arith.constant 0 : i32
    %c0_i32_0 = arith.constant 0 : i32
    return %arg0, %c0_i32 : i32, i32
  }
}

module attributes {stable_mosaic.version = 14 : i64} {
  func.func @_scale_body(%arg0: i32, %arg1: memref<2x1000x16xf32, #tpu.memory_space<vmem>>, %arg2: memref<1000x64xf32, #tpu.memory_space<vmem>>, %arg3: memref<1000x64xf32, #tpu.memory_space<vmem>>, %arg4: memref<1000x1xf32, #tpu.memory_space<vmem>>) attributes {dimension_semantics = [#tpu.dimension_semantics<arbitrary>], iteration_bounds = array<i64: 10>, scalar_prefetch = 0 : i64, scratch_operands = 0 : i64, tpu.core_type = #tpu.core_type<tc>, window_params = [{transform_indices = @transform_0, window_bounds = array<i64: 2, 1000, 16>}, {transform_indices = @transform_1, window_bounds = array<i64: 1000, 64>}, {transform_indices = @transform_2, window_bounds = array<i64: 1000, 64>}, {transform_indices = @transform_3, window_bounds = array<i64: 1000, 1>}]} {
    %get3A = arith.constant 0 : index
    %get3A_0 = arith.constant 0 : index
    %get3A_1 = arith.constant 0 : index
    %get3A_2 = vector.load %arg1[%get3A, %get3A_0, %get3A_1] : memref<2x1000x16xf32, #tpu.memory_space<vmem>>, vector<1x1000x1xf32>
    %get3A_3 = vector.shape_cast %get3A_2 : vector<1x1000x1xf32> to vector<1000x1xf32>
    %get3A_4 = arith.constant 1 : index
    %get3A_5 = arith.constant 0 : index
    %get3A_6 = arith.constant 0 : index
    %get3A_7 = vector.load %arg1[%get3A_4, %get3A_5, %get3A_6] : memref<2x1000x16xf32, #tpu.memory_space<vmem>>, vector<1x1000x1xf32>
    %get3A_8 = vector.shape_cast %get3A_7 : vector<1x1000x1xf32> to vector<1000x1xf32>
    %add3A = arith.addf %get3A_3, %get3A_8 : vector<1000x1xf32>
    %add3A_9 = arith.constant 1.000000e+00 : f32
    %add3A_10 = vector.broadcast %add3A_9 : f32 to vector<1000x1xf32>
    %add3A_11 = arith.addf %add3A, %add3A_10 : vector<1000x1xf32>
    %rsqrt3A = math.rsqrt %add3A_11 : vector<1000x1xf32>
    %swap3A = arith.constant 0 : index
    %swap3A_12 = arith.constant 0 : index
    %swap3A_13 = vector.load %arg4[%swap3A, %swap3A_12] : memref<1000x1xf32, #tpu.memory_space<vmem>>, vector<1000x1xf32>
    tpu.vector_store %arg4[%swap3A, %swap3A_12], %rsqrt3A {strides = array<i32>} : memref<1000x1xf32, #tpu.memory_space<vmem>>, vector<1000x1xf32>,
    %get3A_14 = arith.constant 0 : index
    %get3A_15 = arith.constant 0 : index
    %get3A_16 = vector.load %arg2[%get3A_14, %get3A_15] : memref<1000x64xf32, #tpu.memory_space<vmem>>, vector<1000x64xf32>
    %mul3A = vector.broadcast %rsqrt3A : vector<1000x1xf32> to vector<1000x64xf32>
    %mul3A_17 = arith.mulf %mul3A, %get3A_16 : vector<1000x64xf32>
    %swap3A_18 = arith.constant 0 : index
    %swap3A_19 = arith.constant 0 : index
    %swap3A_20 = vector.load %arg3[%swap3A_18, %swap3A_19] : memref<1000x64xf32, #tpu.memory_space<vmem>>, vector<1000x64xf32>
    tpu.vector_store %arg3[%swap3A_18, %swap3A_19], %mul3A_17 {strides = array<i32>} : memref<1000x64xf32, #tpu.memory_space<vmem>>, vector<1000x64xf32>,
    return
  }
  func.func @transform_0(%arg0: i32) -> (i32, i32, i32) {
    %c0_i32 = arith.constant 0 : i32
    %c0_i32_0 = arith.constant 0 : i32
    %c0_i32_1 = arith.constant 0 : i32
    return %c0_i32, %arg0, %c0_i32_0 : i32, i32, i32
  }
  func.func @transform_1(%arg0: i32) -> (i32, i32) {
    %c0_i32 = arith.constant 0 : i32
    %c0_i32_0 = arith.constant 0 : i32
    return %arg0, %c0_i32 : i32, i32
  }
  func.func @transform_2(%arg0: i32) -> (i32, i32) {
    %c0_i32 = arith.constant 0 : i32
    %c0_i32_0 = arith.constant 0 : i32
    return %arg0, %c0_i32 : i32, i32
  }
  func.func @transform_3(%arg0: i32) -> (i32, i32) {
    %c0_i32 = arith.constant 0 : i32
    %c0_i32_0 = arith.constant 0 : i32
    return %arg0, %c0_i32 : i32, i32
  }
}

module attributes {stable_mosaic.version = 14 : i64} {
  func.func @_layer_body(%arg0: i32, %arg1: memref<1000x1xf32, #tpu.memory_space<vmem>>, %arg2: memref<2x1000x64xf32, #tpu.memory_space<vmem>>, %arg3: memref<1000x64xf32, #tpu.memory_space<vmem>>, %arg4: memref<1x64xf32, #tpu.memory_space<vmem>>, %arg5: memref<64x32xf32, #tpu.memory_space<vmem>>, %arg6: memref<1000x32xf32, #tpu.memory_space<vmem>>) attributes {dimension_semantics = [#tpu.dimension_semantics<arbitrary>], iteration_bounds = array<i64: 10>, scalar_prefetch = 0 : i64, scratch_operands = 0 : i64, tpu.core_type = #tpu.core_type<tc>, window_params = [{transform_indices = @transform_0, window_bounds = array<i64: 1000, 1>}, {transform_indices = @transform_1, window_bounds = array<i64: 2, 1000, 64>}, {transform_indices = @transform_2, window_bounds = array<i64: 1000, 64>}, {pipeline_mode = #tpu.pipeline_mode<synchronous>, transform_indices = @transform_3, window_bounds = array<i64: 1, 64>}, {pipeline_mode = #tpu.pipeline_mode<synchronous>, transform_indices = @transform_4, window_bounds = array<i64: 64, 32>}, {transform_indices = @transform_5, window_bounds = array<i64: 1000, 32>}]} {
    %get3A = arith.constant 0 : index
    %get3A_0 = arith.constant 0 : index
    %get3A_1 = vector.load %arg1[%get3A, %get3A_0] : memref<1000x1xf32, #tpu.memory_space<vmem>>, vector<1000x1xf32>
    %get3A_2 = arith.constant 0 : index
    %get3A_3 = arith.constant 0 : index
    %get3A_4 = arith.constant 0 : index
    %get3A_5 = vector.load %arg2[%get3A_2, %get3A_3, %get3A_4] : memref<2x1000x64xf32, #tpu.memory_space<vmem>>, vector<1x1000x64xf32>
    %get3A_6 = vector.shape_cast %get3A_5 : vector<1x1000x64xf32> to vector<1000x64xf32>
    %get3A_7 = arith.constant 1 : index
    %get3A_8 = arith.constant 0 : index
    %get3A_9 = arith.constant 0 : index
    %get3A_10 = vector.load %arg2[%get3A_7, %get3A_8, %get3A_9] : memref<2x1000x64xf32, #tpu.memory_space<vmem>>, vector<1x1000x64xf32>
    %get3A_11 = vector.shape_cast %get3A_10 : vector<1x1000x64xf32> to vector<1000x64xf32>
    %add3A = arith.addf %get3A_6, %get3A_11 : vector<1000x64xf32>
    %get3A_12 = arith.constant 0 : index
    %get3A_13 = arith.constant 0 : index
    %get3A_14 = vector.load %arg3[%get3A_12, %get3A_13] : memref<1000x64xf32, #tpu.memory_space<vmem>>, vector<1000x64xf32>
    %add3A_15 = arith.addf %add3A, %get3A_14 : vector<1000x64xf32>
    %mul3A = vector.broadcast %get3A_1 : vector<1000x1xf32> to vector<1000x64xf32>
    %mul3A_16 = arith.mulf %mul3A, %add3A_15 : vector<1000x64xf32>
    %get3A_17 = arith.constant 0 : index
    %get3A_18 = arith.constant 0 : index
    %get3A_19 = vector.load %arg4[%get3A_17, %get3A_18] : memref<1x64xf32, #tpu.memory_space<vmem>>, vector<1x64xf32>
    %add3A_20 = vector.broadcast %get3A_19 : vector<1x64xf32> to vector<1000x64xf32>
    %add3A_21 = arith.addf %mul3A_16, %add3A_20 : vector<1000x64xf32>
    %max3A = arith.constant 0.000000e+00 : f32
    %max3A_22 = vector.broadcast %max3A : f32 to vector<1000x64xf32>
    %max3A_23 = arith.maximumf %add3A_21, %max3A_22 : vector<1000x64xf32>
    %get3A_24 = arith.constant 0 : index
    %get3A_25 = arith.constant 0 : index
    %get3A_26 = vector.load %arg5[%get3A_24, %get3A_25] : memref<64x32xf32, #tpu.memory_space<vmem>>, vector<64x32xf32>
    %dot_general3A = arith.constant dense<0.000000e+00> : vector<1000x32xf32>
    %dot_general3A_27 = tpu.matmul %max3A_23, %get3A_26, %dot_general3A {dimension_numbers = #tpu.dot_dimension_numbers<[1], [0], [0], [1], [0, 0, 1, 1], [], []>, transpose_lhs_hint = false} : vector<1000x64xf32>, vector<64x32xf32>, vector<1000x32xf32> -> vector<1000x32xf32>
    %mul3A_28 = vector.broadcast %get3A_1 : vector<1000x1xf32> to vector<1000x32xf32>
    %mul3A_29 = arith.mulf %mul3A_28, %dot_general3A_27 : vector<1000x32xf32>
    %swap3A = arith.constant 0 : index
    %swap3A_30 = arith.constant 0 : index
    %swap3A_31 = vector.load %arg6[%swap3A, %swap3A_30] : memref<1000x32xf32, #tpu.memory_space<vmem>>, vector<1000x32xf32>
    tpu.vector_store %arg6[%swap3A, %swap3A_30], %mul3A_29 {strides = array<i32>} : memref<1000x32xf32, #tpu.memory_space<vmem>>, vector<1000x32xf32>,
    return
  }
  func.func @transform_0(%arg0: i32) -> (i32, i32) {
    %c0_i32 = arith.constant 0 : i32
    %c0_i32_0 = arith.constant 0 : i32
    return %arg0, %c0_i32 : i32, i32
  }
  func.func @transform_1(%arg0: i32) -> (i32, i32, i32) {
    %c0_i32 = arith.constant 0 : i32
    %c0_i32_0 = arith.constant 0 : i32
    %c0_i32_1 = arith.constant 0 : i32
    return %c0_i32, %arg0, %c0_i32_0 : i32, i32, i32
  }
  func.func @transform_2(%arg0: i32) -> (i32, i32) {
    %c0_i32 = arith.constant 0 : i32
    %c0_i32_0 = arith.constant 0 : i32
    return %arg0, %c0_i32 : i32, i32
  }
  func.func @transform_3(%arg0: i32) -> (i32, i32) {
    %c0_i32 = arith.constant 0 : i32
    %c0_i32_0 = arith.constant 0 : i32
    %c0_i32_1 = arith.constant 0 : i32
    return %c0_i32, %c0_i32_0 : i32, i32
  }
  func.func @transform_4(%arg0: i32) -> (i32, i32) {
    %c0_i32 = arith.constant 0 : i32
    %c0_i32_0 = arith.constant 0 : i32
    %c0_i32_1 = arith.constant 0 : i32
    return %c0_i32, %c0_i32_0 : i32, i32
  }
  func.func @transform_5(%arg0: i32) -> (i32, i32) {
    %c0_i32 = arith.constant 0 : i32
    %c0_i32_0 = arith.constant 0 : i32
    return %arg0, %c0_i32 : i32, i32
  }
}

module attributes {stable_mosaic.version = 14 : i64} {
  func.func @_head_body(%arg0: i32, %arg1: memref<1000x1xf32, #tpu.memory_space<vmem>>, %arg2: memref<2x1000x32xf32, #tpu.memory_space<vmem>>, %arg3: memref<1000x32xf32, #tpu.memory_space<vmem>>, %arg4: memref<1x32xf32, #tpu.memory_space<vmem>>, %arg5: memref<32x1xf32, #tpu.memory_space<vmem>>, %arg6: memref<1x1xf32, #tpu.memory_space<vmem>>, %arg7: memref<1000x1xf32, #tpu.memory_space<vmem>>) attributes {dimension_semantics = [#tpu.dimension_semantics<arbitrary>], iteration_bounds = array<i64: 10>, scalar_prefetch = 0 : i64, scratch_operands = 0 : i64, tpu.core_type = #tpu.core_type<tc>, window_params = [{transform_indices = @transform_0, window_bounds = array<i64: 1000, 1>}, {transform_indices = @transform_1, window_bounds = array<i64: 2, 1000, 32>}, {transform_indices = @transform_2, window_bounds = array<i64: 1000, 32>}, {pipeline_mode = #tpu.pipeline_mode<synchronous>, transform_indices = @transform_3, window_bounds = array<i64: 1, 32>}, {pipeline_mode = #tpu.pipeline_mode<synchronous>, transform_indices = @transform_4, window_bounds = array<i64: 32, 1>}, {pipeline_mode = #tpu.pipeline_mode<synchronous>, transform_indices = @transform_5, window_bounds = array<i64: 1, 1>}, {transform_indices = @transform_6, window_bounds = array<i64: 1000, 1>}]} {
    %get3A = arith.constant 0 : index
    %get3A_0 = arith.constant 0 : index
    %get3A_1 = vector.load %arg1[%get3A, %get3A_0] : memref<1000x1xf32, #tpu.memory_space<vmem>>, vector<1000x1xf32>
    %get3A_2 = arith.constant 0 : index
    %get3A_3 = arith.constant 0 : index
    %get3A_4 = arith.constant 0 : index
    %get3A_5 = vector.load %arg2[%get3A_2, %get3A_3, %get3A_4] : memref<2x1000x32xf32, #tpu.memory_space<vmem>>, vector<1x1000x32xf32>
    %get3A_6 = vector.shape_cast %get3A_5 : vector<1x1000x32xf32> to vector<1000x32xf32>
    %get3A_7 = arith.constant 1 : index
    %get3A_8 = arith.constant 0 : index
    %get3A_9 = arith.constant 0 : index
    %get3A_10 = vector.load %arg2[%get3A_7, %get3A_8, %get3A_9] : memref<2x1000x32xf32, #tpu.memory_space<vmem>>, vector<1x1000x32xf32>
    %get3A_11 = vector.shape_cast %get3A_10 : vector<1x1000x32xf32> to vector<1000x32xf32>
    %add3A = arith.addf %get3A_6, %get3A_11 : vector<1000x32xf32>
    %get3A_12 = arith.constant 0 : index
    %get3A_13 = arith.constant 0 : index
    %get3A_14 = vector.load %arg3[%get3A_12, %get3A_13] : memref<1000x32xf32, #tpu.memory_space<vmem>>, vector<1000x32xf32>
    %add3A_15 = arith.addf %add3A, %get3A_14 : vector<1000x32xf32>
    %mul3A = vector.broadcast %get3A_1 : vector<1000x1xf32> to vector<1000x32xf32>
    %mul3A_16 = arith.mulf %mul3A, %add3A_15 : vector<1000x32xf32>
    %get3A_17 = arith.constant 0 : index
    %get3A_18 = arith.constant 0 : index
    %get3A_19 = vector.load %arg4[%get3A_17, %get3A_18] : memref<1x32xf32, #tpu.memory_space<vmem>>, vector<1x32xf32>
    %add3A_20 = vector.broadcast %get3A_19 : vector<1x32xf32> to vector<1000x32xf32>
    %add3A_21 = arith.addf %mul3A_16, %add3A_20 : vector<1000x32xf32>
    %max3A = arith.constant 0.000000e+00 : f32
    %max3A_22 = vector.broadcast %max3A : f32 to vector<1000x32xf32>
    %max3A_23 = arith.maximumf %add3A_21, %max3A_22 : vector<1000x32xf32>
    %get3A_24 = arith.constant 0 : index
    %get3A_25 = arith.constant 0 : index
    %get3A_26 = vector.load %arg5[%get3A_24, %get3A_25] : memref<32x1xf32, #tpu.memory_space<vmem>>, vector<32x1xf32>
    %dot_general3A = arith.constant dense<0.000000e+00> : vector<1000x1xf32>
    %dot_general3A_27 = tpu.matmul %max3A_23, %get3A_26, %dot_general3A {dimension_numbers = #tpu.dot_dimension_numbers<[1], [0], [0], [1], [0, 0, 1, 1], [], []>, transpose_lhs_hint = false} : vector<1000x32xf32>, vector<32x1xf32>, vector<1000x1xf32> -> vector<1000x1xf32>
    %get3A_28 = arith.constant 0 : index
    %get3A_29 = arith.constant 0 : index
    %get3A_30 = vector.load %arg6[%get3A_28, %get3A_29] : memref<1x1xf32, #tpu.memory_space<vmem>>, vector<1x1xf32>
    %add3A_31 = vector.broadcast %get3A_30 : vector<1x1xf32> to vector<1000x1xf32>
    %add3A_32 = arith.addf %dot_general3A_27, %add3A_31 : vector<1000x1xf32>
    %logistic3A = arith.negf %add3A_32 : vector<1000x1xf32>
    %logistic3A_33 = math.exp %logistic3A : vector<1000x1xf32>
    %logistic3A_34 = arith.constant 1.000000e+00 : f32
    %logistic3A_35 = vector.broadcast %logistic3A_34 : f32 to vector<1000x1xf32>
    %logistic3A_36 = arith.addf %logistic3A_35, %logistic3A_33 : vector<1000x1xf32>
    %logistic3A_37 = arith.divf %logistic3A_35, %logistic3A_36 : vector<1000x1xf32>
    %swap3A = arith.constant 0 : index
    %swap3A_38 = arith.constant 0 : index
    %swap3A_39 = vector.load %arg7[%swap3A, %swap3A_38] : memref<1000x1xf32, #tpu.memory_space<vmem>>, vector<1000x1xf32>
    tpu.vector_store %arg7[%swap3A, %swap3A_38], %logistic3A_37 {strides = array<i32>} : memref<1000x1xf32, #tpu.memory_space<vmem>>, vector<1000x1xf32>,
    return
  }
  func.func @transform_0(%arg0: i32) -> (i32, i32) {
    %c0_i32 = arith.constant 0 : i32
    %c0_i32_0 = arith.constant 0 : i32
    return %arg0, %c0_i32 : i32, i32
  }
  func.func @transform_1(%arg0: i32) -> (i32, i32, i32) {
    %c0_i32 = arith.constant 0 : i32
    %c0_i32_0 = arith.constant 0 : i32
    %c0_i32_1 = arith.constant 0 : i32
    return %c0_i32, %arg0, %c0_i32_0 : i32, i32, i32
  }
  func.func @transform_2(%arg0: i32) -> (i32, i32) {
    %c0_i32 = arith.constant 0 : i32
    %c0_i32_0 = arith.constant 0 : i32
    return %arg0, %c0_i32 : i32, i32
  }
  func.func @transform_3(%arg0: i32) -> (i32, i32) {
    %c0_i32 = arith.constant 0 : i32
    %c0_i32_0 = arith.constant 0 : i32
    %c0_i32_1 = arith.constant 0 : i32
    return %c0_i32, %c0_i32_0 : i32, i32
  }
  func.func @transform_4(%arg0: i32) -> (i32, i32) {
    %c0_i32 = arith.constant 0 : i32
    %c0_i32_0 = arith.constant 0 : i32
    %c0_i32_1 = arith.constant 0 : i32
    return %c0_i32, %c0_i32_0 : i32, i32
  }
  func.func @transform_5(%arg0: i32) -> (i32, i32) {
    %c0_i32 = arith.constant 0 : i32
    %c0_i32_0 = arith.constant 0 : i32
    %c0_i32_1 = arith.constant 0 : i32
    return %c0_i32, %c0_i32_0 : i32, i32
  }
  func.func @transform_6(%arg0: i32) -> (i32, i32) {
    %c0_i32 = arith.constant 0 : i32
    %c0_i32_0 = arith.constant 0 : i32
    return %arg0, %c0_i32 : i32, i32
  }
}

</mosaic_0001>

<sc_bundles>
// kernel: kernel.12.cloned.1.call-start
scs
__scs_entry_jumppad:
0x0: {  	(pc) =	sbr.rel $0x88, $3  }
0x1: {  	(tag) =	ssettag $0x0;
	lr =	simm.s32 $0x1  }
0x2: {  	[smem:$0x3F99] =	sst lr;
	_ =	strace $0xD0000000  }
0x3: {  	_ = 	snop  }
0x4: {  	_ = 	snop  }
0x5: {  	_ = 	snop  }
0x6: {  	_ = 	snop  }
0x7: {  	_ = 	snop  }
__scs_overlays_trampoline_lowered:
0x8: {  	[smem:$0x3FA8] =	sst s0  }
0x9: {  	[smem:$0x3FA9] =	sst s1  }
0xa: {  	[smem:$0x3FAA] =	sst s2  }
0xb: {  	[smem:$0x3FAB] =	sst s3  }
0xc: {  	[smem:$0x3FAC] =	sst s4  }
0xd: {  	[smem:$0x3FAD] =	sst s5  }
0xe: {  	[smem:$0x3FAE] =	sst s6  }
0xf: {  	[smem:$0x3FAF] =	sst s7  }
0x10: {  	[smem:$0x3FB0] =	sst s8  }
0x11: {  	[smem:$0x3FB1] =	sst s9;
	s0 =	simm.s32 @!p0 $0x0  }
0x12: {  	s1 =	sld [smem:$0x3F97];
	s0 =	simm.s32 @p0 $0x1  }
0x13: {  	[smem:$0x3FB2] =	sst s0;
	s0 =	simm.s32 @!p1 $0x0  }
0x14: {  	s2 =	sld [smem:$0x3F96];
	s0 =	simm.s32 @p1 $0x1  }
0x15: {  	[smem:$0x3FB3] =	sst s0;
	s0 =	simm.s32 @!p2 $0x0  }
0x16: {  	s3 =	sld [smem:$0x3FDB];
	s0 =	simm.s32 @p2 $0x1  }
0x17: {  	s4 =	simm.s32 $0x1BF5;
	[smem:$0x3FB5] =	sst s0  }
0x18: {  	s0 =	sld [smem:$0x3F98];
	_ =	swait.ge [sflag:s4], $0x0  }
0x19: {  	s7 =	sld [smem:$0x3F99]  }
0x1a: {  	s8 =	sadd.s32 $0xFFFFE003, lr  }
0x1b: {  	s9 =	sadd.s32 $0xFFFFFEF7, lr;
	s5 =	simm.s32 $0xFFFFFFFF;
	p2 =	slt.u32 s8, $0xFFFFF086  }
0x1c: {  	p1 =	slt.u32 s9, $0xF7A;
	s5 =	simm.s32 @!p2 $0x0  }
0x1d: {  	s5 =	simm.s32 @p1 $0x1;
	p0 =	seq.s32 s7, s2  }
0x1e: {  	s7 =	smul.u32 @!p0 $0xF7A, s2;
	p2 =	seq.s32 @!p0 s5, $0x0  }
0x1f: {  	s9 =	smul.u32 $0xF7A, s1;
	s8 =	simm.s32 @!p0 $0x1BF5;
	p2 =	por !p2, p0  }
0x20: {  	[sflag:s8] =	ssyncset.s32 @!p0 $0xFFFFF086;
	s6 =	sadd.s32 @!p0 s3, s7;
	s7 =	simm.s32 @!p0 $0x108  }
0x21: {  	s3 =	sadd.s32 s3, s9;
	s6 =	sadd.s32 @!p0 $0x88, s6;
	s7 =	simm.s32 @p2 $0x1082  }
0x22: {  	[simem:s7], [sflag:s8] =	dma.local @!p0 [hbm:s6], $0xF7A  }
0x23: {  	s9 =	sor.u32 $0xD0000000, s2;
	s6 =	simm.s32 $0x108;
	_ =	swait.ge @!p0 [sflag:s8], $0x0  }
0x24: {  	s3 =	sadd.s32 $0x88, s3;
	s6 =	simm.s32 @!p1 $0x1082;
	[sflag:s4] =	ssyncset.s32 $0xFFFFF086  }
0x25: {  	[simem:s6], [sflag:s4] =	dma.local [hbm:s3], $0xF7A  }
0x26: {  	[smem:$0x3F99] =	sst s1;
	(tag) =	ssettag s2;
	_ =	strace s9  }
0x27: {  	s1 =	sld [smem:$0x3FA9]  }
0x28: {  	s2 =	sld [smem:$0x3FAA]  }
0x29: {  	s4 =	sld [smem:$0x3FAC]  }
0x2a: {  	p0 =	seq.s32 s5, $0x0;
	s5 =	sld [smem:$0x3FAD]  }
0x2b: {  	s6 =	sld [smem:$0x3FAE]  }
0x2c: {  	s7 =	sld [smem:$0x3FAF]  }
0x2d: {  	s3 =	simm.s32 $0x108;
	s8 =	sld [smem:$0x3FB0]  }
0x2e: {  	s3 =	simm.s32 @!p0 $0x1082;
	s9 =	sld [smem:$0x3FB1]  }
0x2f: {  	lr =	sadd.s32 s0, s3;
	s0 =	sld [smem:$0x3FA8]  }
0x30: {  	s3 =	sld [smem:$0x3FAB]  }
0x31: {  	[smem:$0x3FB4] =	sst s10  }
0x32: {  	s10 =	sld [smem:$0x3FB2];
	_ =	sdelay $0x3  }
0x33: {  	p0 =	seq.s32 s10, $0x1;
	s10 =	sld [smem:$0x3FB4];
	_ =	sdelay $0x3  }
0x34: {  	[smem:$0x3FB4] =	sst s10  }
0x35: {  	s10 =	sld [smem:$0x3FB3];
	_ =	sdelay $0x3  }
0x36: {  	p1 =	seq.s32 s10, $0x1;
	s10 =	sld [smem:$0x3FB4];
	_ =	sdelay $0x3  }
0x37: {  	[smem:$0x3FB4] =	sst s10  }
0x38: {  	s10 =	sld [smem:$0x3FB5]  }
0x39: {  	_ = 	snop;
	(pc) =	sbr.ind lr, $3  }
0x3a: {  	_ = 	snop  }
0x3b: {  	_ = 	snop  }
0x3c: {  	p2 =	seq.s32 s10, $0x1;
	s10 =	sld [smem:$0x3FB4]  }
0x3d: {  	_ =	shalt  }
0x3e: {  	_ =	shalt  }
0x3f: {  	_ =	shalt  }
0x40: {  	_ =	shalt  }
0x41: {  	_ =	shalt  }
0x42: {  	_ =	shalt  }
0x43: {  	_ =	shalt  }
0x44: {  	_ =	shalt  }
0x45: {  	_ =	shalt  }
0x46: {  	_ =	shalt  }
0x47: {  	_ =	shalt  }
0x48: {  	_ =	shalt  }
0x49: {  	_ =	shalt  }
0x4a: {  	_ =	shalt  }
0x4b: {  	_ =	shalt  }
0x4c: {  	_ =	shalt  }
0x4d: {  	_ =	shalt  }
0x4e: {  	_ =	shalt  }
0x4f: {  	_ =	shalt  }
0x50: {  	_ =	shalt  }
0x51: {  	_ =	shalt  }
0x52: {  	_ =	shalt  }
0x53: {  	_ =	shalt  }
0x54: {  	_ =	shalt  }
0x55: {  	_ =	shalt  }
0x56: {  	_ =	shalt  }
0x57: {  	_ =	shalt  }
0x58: {  	_ =	shalt  }
0x59: {  	_ =	shalt  }
0x5a: {  	_ =	shalt  }
0x5b: {  	_ =	shalt  }
0x5c: {  	_ =	shalt  }
0x5d: {  	_ =	shalt  }
0x5e: {  	_ =	shalt  }
0x5f: {  	_ =	shalt  }
0x60: {  	_ =	shalt  }
0x61: {  	_ =	shalt  }
0x62: {  	_ =	shalt  }
0x63: {  	_ =	shalt  }
0x64: {  	_ =	shalt  }
0x65: {  	_ =	shalt  }
0x66: {  	_ =	shalt  }
0x67: {  	_ =	shalt  }
0x68: {  	_ =	shalt  }
0x69: {  	_ =	shalt  }
0x6a: {  	_ =	shalt  }
0x6b: {  	_ =	shalt  }
0x6c: {  	_ =	shalt  }
0x6d: {  	_ =	shalt  }
0x6e: {  	_ =	shalt  }
0x6f: {  	_ =	shalt  }
0x70: {  	_ =	shalt  }
0x71: {  	_ =	shalt  }
0x72: {  	_ =	shalt  }
0x73: {  	_ =	shalt  }
0x74: {  	_ =	shalt  }
0x75: {  	_ =	shalt  }
0x76: {  	_ =	shalt  }
0x77: {  	_ =	shalt  }
0x78: {  	_ =	shalt  }
0x79: {  	_ =	shalt  }
0x7a: {  	_ =	shalt  }
0x7b: {  	_ =	shalt  }
0x7c: {  	_ =	shalt  }
0x7d: {  	_ =	shalt  }
0x7e: {  	_ =	shalt  }
0x7f: {  	_ =	shalt  }
0x80: {  	_ =	shalt  }
0x81: {  	_ =	shalt  }
0x82: {  	_ =	shalt  }
0x83: {  	_ =	shalt  }
0x84: {  	_ =	shalt  }
0x85: {  	_ =	shalt  }
0x86: {  	_ =	shalt  }
0x87: {  	_ =	shalt  }
.Lfunc_end0:
.L_simem_size_0:
called_computation.1_lowered:
.L_overlay_start_0:
0x88: {  	s2 =	sld [smem:$0x3FD9]  }
0x89: {  	s3 =	sld [smem:$0x3FFE];
	_ =	sdelay $0x1  }
0x8a: {  	s1 =	srdreg.scid  }
0x8b: {  	s0 =	sand.u32 $0x1, s1  }
0x8c: {  	s16 =	sshll.u32 s0, $0xA;
	s2 =	sadd.s32 s3, s2  }
0x8d: {  	s2 =	sadd.s32 s2, s16  }
0x8e: {  	[smem:$0x3FC0] =	sst s2  }
0x8f: {  	_ = 	snop  }
0x90: {  	(tm) =	ssettm $0x1  }
0x91: {  	s17 =	sld [smem:$0x3FFB];
	_ =	sdelay $0x3  }
0x92: {  	_ =	strace s17  }
0x93: {  	s2 =	sld [smem:$0x3FFC];
	_ =	sdelay $0x3  }
0x94: {  	_ =	strace s2  }
0x95: {  	s2 =	sld [smem:$0x3FFD];
	_ =	sdelay $0x3  }
0x96: {  	_ =	strace s2  }
0x97: {  	_ =	strace $0x8FFFFFFF  }
0x98: {  	s18 =	sld [smem:$0x3FDB];
	_ =	sdelay $0x1  }
0x99: {  	s19 =	simm.s32 $_scs_section_size  }
0x9a: {  	s4 =	simm.s32 $_size__tile_overlayer_lowered;
	s5 =	simm.s32 $_tile_overlayer_lowered  }
0x9b: {  	s22 =	simm.s32 $0x1BFF;
	s21 =	sshll.u32 s5, $0x1;
	s2 =	sadd.s32 s19, s18  }
0x9c: {  	s6 =	simm.s32 $0x0;
	s20 =	sshll.u32 s4, $0x1;
	s4 =	sadd.s32 s21, s2  }
0x9d: {  	[timem:s6], [sflag:s22] =	dma.local [hbm:s4], s20  }
0x9e: {  	_ =	swait.ge [sflag:s22], s20  }
0x9f: {  	s3 =	ssub.s32 $0x0, s20;
	[sflag:s22] =	ssyncset.done $0x0  }
0xa0: {  	[sflag:s22] =	ssyncadd.s32 s3;
	_ =	sdelay $0x1  }
0xa1: {  	s23 =	simm.s32 $0x1B8B  }
0xa2: {  	_ =	swait.ge [sflag:s23], $0x1  }
0xa3: {  	[sflag:s23] =	ssyncset.done $0x0  }
0xa4: {  	s25 =	simm.s32 $0x1B8E;
	s24 =	sld [smem:$0x3FFE];
	[sflag:s23] =	ssyncadd.s32 $0xFFFFFFFF  }
0xa5: {  	s26 =	simm.s32 $execute0_lowered;
	[smem:$0x3FD2] =	sst s25  }
0xa6: {  	s4 =	sshll.u32 s26, $0x1;
	_ =	strace $0x80000049;
	[dreg:$0x1] =	wrdreg $0xFFFFFFFF  }
0xa7: {  	s28 =	simm.s32 $_size_execute0_lowered;
	s2 =	sadd.s32 s2, s4;
	[dreg:$0x0] =	wrdreg $0x0  }
0xa8: {  	s4 =	sshll.u32 s28, $0x1;
	[dreg:$0x2] =	wrdreg s2  }
0xa9: {  	[dreg:$0x3] =	wrdreg s4  }
0xaa: {  	[dreg:$0x4] =	wrdreg $0xC0  }
0xab: {  	_ =	task [dreg:s6], $0x5FFFF  }
0xac: {  	[dreg:$0x1] =	wrdreg $0xFFFFFFFF  }
0xad: {  	[dreg:$0x0] =	wrdreg $0x60  }
0xae: {  	[dreg:$0x2] =	wrdreg s24  }
0xaf: {  	[dreg:$0x3] =	wrdreg $0x135600  }
0xb0: {  	[dreg:$0x4] =	wrdreg $0x9  }
0xb1: {  	_ =	task.clear_ibuf [dreg:s6], $0x5FFFF;
	_ =	strace $0x90000049  }
0xb2: {  	s29 =	simm.s32 $0x9;
	_ =	strace $0x8000004B  }
0xb3: {  	_ =	swait.ge [sflag:s29], $0x1  }
0xb4: {  	[sflag:s29] =	ssyncadd.s32 $0xFFFFFFFF  }
0xb5: {  	_ =	strace $0x9000004B  }
0xb6: {  	_ =	sfence  }
0xb7: {  	s30 =	sld [smem:$0x0];
	_ =	sdelay $0x2  }
0xb8: {  	s31 =	sshll.u32 s1, $0xD;
	s1 =	sshrl.u32 s1, $0x2  }
0xb9: {  	s3 =	sand.u32 $0x4000, s31;
	s1 =	sadd.s32 s1, s30  }
0xba: {  	s0 =	sor.u32 s3, s0;
	s1 =	sshll.u32 s1, $0x11  }
0xbb: {  	s0 =	sor.u32 s1, s0  }
0xbc: {  	s0 =	sadd.s32 $0x8F2B, s0  }
0xbd: {  	[sflag:s0] =	ssyncadd.remote.s32 $0x1  }
0xbe: {  	_ =	sfence.sel $0xFFFF  }
0xbf: {  	[dreg:$0x0] =	wrdreg $0xFFFFFFFF;
	(pc) =	sbr.abs _section_cstart, $3  }
0xc0: {  	[dreg:$0x1] =	wrdreg $0xFFFFFFFF  }
0xc1: {  	_ =	task.clear_ibuf [dreg:s6], $0x2FFFF;
	_ =	strace $0x9FFFFFFF  }
0xc2: {  	(tm) =	ssettm $0x7FFFFFFF  }
0xc3: {  	_ =	shalt  }
tec
execute0_lowered:
.L_overlay_start_1:
0x0: {  	(tag) =	ssettag $0x1  }
0x1: {  	s5 =	rddreg [dreg:$0x0]  }
0x2: {  	s1 =	rddreg [dreg:$0x1];
	s2 =	srdreg.scid  }
0x3: {  	s0 =	rddreg [dreg:$0x2];
	s3 =	simm.s32 $0x0;
	s15 =	simm.s32 $0x4  }
0x4: {  	s16 =	simm.s32 $0x3;
	s17 =	simm.s32 $0x190;
	s18 =	simm.s32 $0x4E20  }
0x5: {  	s19 =	simm.s32 $0xB220;
	s20 =	simm.s32 $0x1;
	s6 =	sand.u32 $0x1, s2  }
0x6: {  	s21 =	simm.s32 $0x2;
	s2 =	stileid.u32;
	s7 =	smul.u32 $0x9C400, s6  }
0x7: {  	s22 =	simm.s32 $0x4C90;
	s24 =	simm.s32 $0x0;
	s8 =	smul.u32 $0x9C40, s2  }
0x8: {  	[smem:$0x7FF] =	sst s3;
	s4 =	sadd.s32 $0x15600, s5;
	s11 =	smul.u32 $0x27100, s2  }
0x9: {  	s13 =	sadd.s32 $0x1C00, s5;
	s9 =	ssub.s32 $0x2, s6;
	s29 =	smul.u32 $0x4E20, s2  }
0xa: {  	_ =	strace $0x8000004A;
	s31 =	smul.u32 $0x2710, s6;
	s10 =	sshrl.u32 s9, $0x1  }
0xb: {  	s7 =	sadd.s32 s8, s7;
	s28 =	ssub.s32 s9, s10;
	s30 =	sshrl.u32 s11, $0x2  }
0xc: {  	s23 =	sadd.s32 s8, s1;
	s11 =	sadd.s32 s31, s29;
	s7 =	sshrl.u32 s7, $0x3  }
0xd: {  	s6 =	smax.u32 s28, $0x1;
	s12 =	sshrl.u32 s11, $0x3;
	s14 =	sadd.s32 $0x4E200, s11  }
0xe: {  	s23 =	sshrl.u32 s23, $0x3;
	s5 =	sadd.s32 s7, s5;
	s7 =	sadd.s32 s30, s1  }
0xf: {  	s12 =	sadd.s32 s12, s13;
	s14 =	sshrl.u32 s14, $0x3;
	s5 =	sadd.s32 $0x29000, s5  }
0x10: {  	s8 =	sadd.s32 $0x1F40, s7;
	s9 =	sadd.s32 $0x3E80, s7;
	s10 =	sadd.s32 $0x5DC0, s7  }
0x11: {  	v0 =	vimm.f32 $0.0e+00;
	s11 =	sadd.s32 $0x7D00, s7;
	s13 =	sadd.s32 s14, s13;
	s14 =	simm.s32 $0x11620  }
.LBB2_1:
0x12: {  	s26 =	simm.s32 $0x100;
	s25 =	simm.s32 $0x0  }
.LBB2_2:
0x13: {  	p0 =	sne.s32 s26, $0x7C00;
	[tilespmem:s25+$0x11650] =	vst v0;
	s28 =	smov.u32 s26;
	s26 =	sadd.s32 $0x100, s26  }
.Ltmp0:
0x14: {  	[tilespmem:s25+$0x11640] =	vst v0;
	(pc) =	sbr.rel @p0 .LBB2_2-.Ltmp0, $3  }
0x15: {  	[tilespmem:s25+$0x11620] =	vst v0  }
0x16: {  	[tilespmem:s25+$0x11630] =	vst v0;
	_ =	sdelay $0x1  }
0x17: {  	s25 =	sshra.s32 s28, $0x2  }
0x18: {  	[tilespmem:s25+$0x11650] =	vst v0  }
0x19: {  	[tilespmem:s25+$0x11640] =	vst v0  }
0x1a: {  	[tilespmem:s25+$0x11620] =	vst v0  }
0x1b: {  	[tilespmem:s25+$0x11630] =	vst v0  }
0x1c: {  	[spmem:s7] =	stream.linear.scatter [tilespmem:s14], [sflag:$0x4], $0x1F40, $0x38;
	[tilespmem:$0x1D1A0] =	vst v63  }
0x1d: {  	_ =	swait.ge [sflag:s15], $0x1F40  }
0x1e: {  	[sflag:s15] =	ssyncset.done $0x0  }
0x1f: {  	[sflag:s15] =	ssyncadd.s32 $0xFFFFE0C0  }
0x20: {  	[spmem:s8] =	stream.linear.scatter [tilespmem:s14], [sflag:$0x4], $0x1F40, $0x38;
	[tilespmem:$0x1D1A0] =	vst v63  }
0x21: {  	_ =	swait.ge [sflag:s15], $0x1F40  }
0x22: {  	[sflag:s15] =	ssyncset.done $0x0  }
0x23: {  	[sflag:s15] =	ssyncadd.s32 $0xFFFFE0C0  }
0x24: {  	[spmem:s9] =	stream.linear.scatter [tilespmem:s14], [sflag:$0x4], $0x1F40, $0x38;
	[tilespmem:$0x1D1A0] =	vst v63  }
0x25: {  	_ =	swait.ge [sflag:s15], $0x1F40  }
0x26: {  	[sflag:s15] =	ssyncset.done $0x0  }
0x27: {  	[sflag:s15] =	ssyncadd.s32 $0xFFFFE0C0  }
0x28: {  	[spmem:s10] =	stream.linear.scatter [tilespmem:s14], [sflag:$0x4], $0x1F40, $0x38;
	[tilespmem:$0x1D1A0] =	vst v63  }
0x29: {  	_ =	swait.ge [sflag:s15], $0x1F40  }
0x2a: {  	[sflag:s15] =	ssyncset.done $0x0  }
0x2b: {  	[sflag:s15] =	ssyncadd.s32 $0xFFFFE0C0  }
0x2c: {  	[spmem:s11] =	stream.linear.scatter [tilespmem:s14], [sflag:$0x4], $0x1F40, $0x38;
	[tilespmem:$0x1D1A0] =	vst v63  }
0x2d: {  	_ =	swait.ge [sflag:s15], $0x1F40  }
0x2e: {  	s30 =	simm.s32 $0x0;
	[sflag:s15] =	ssyncset.done $0x0  }
0x2f: {  	s26 =	sadd.s32 $0x0, s12;
	s25 =	simm.s32 $0x2710;
	[sflag:s15] =	ssyncadd.s32 $0xFFFFE0C0  }
0x30: {  	[tilespmem:s30], [sflag:$0x3] =	stream.linear.gather [hbm4b:s26+s3], $0x190, $0x38;
	[tilespmem:$0x1D1A0] =	vst v63  }
0x31: {  	s31 =	sadd.s32 $0x0, s13;
	s28 =	simm.s32 $0x190;
	s26 =	simm.s32 $0x32  }
0x32: {  	[tilespmem:s25], [sflag:$0x3] =	stream.linear.gather [hbm4b:s31+s3], $0x190, $0x38;
	[tilespmem:$0x1D1A0] =	vst v63  }
.LBB2_4:
0x33: {  	s29 =	sadd.s32 s26, s12  }
0x34: {  	p0 =	sne.s32 s26, $0x4B0;
	s30 =	smov.u32 s26;
	s26 =	sadd.s32 $0x32, s26  }
0x35: {  	[tilespmem:s28], [sflag:$0x3] =	stream.linear.gather [hbm4b:s29+s3], $0x190, $0x38;
	[tilespmem:$0x1D1A0] =	vst v63  }
.Ltmp1:
0x36: {  	_ = 	snop;
	(pc) =	sbr.rel @p0 .LBB2_4-.Ltmp1, $4  }
0x37: {  	s25 =	sadd.s32 $0x190, s25;
	s29 =	sadd.s32 s30, s13  }
0x38: {  	[tilespmem:s25], [sflag:$0x3] =	stream.linear.gather [hbm4b:s29+s3], $0x190, $0x38;
	[tilespmem:$0x1D1A0] =	vst v63  }
0x39: {  	_ = 	snop  }
0x3a: {  	s28 =	sadd.s32 $0x190, s28  }
0x3b: {  	_ =	swait.ge [sflag:s16], $0x190  }
0x3c: {  	s25 =	simm.s32 $0x31;
	[sflag:s16] =	ssyncset.done $0x0  }
.LBB2_6:
0x3d: {  	p0 =	sne.s32 s25, $0x1;
	s25 =	sadd.s32 $0xFFFFFFFF, s25;
	[sflag:s16] =	ssyncadd.s32 $0xFFFFFE70  }
.Ltmp2:
0x3e: {  	(pc) =	sbr.rel @p0 .LBB2_6-.Ltmp2, $3  }
0x3f: {  	_ =	sdelay $0x1  }
0x40: {  	_ =	swait.ge [sflag:s16], $0x190  }
0x41: {  	[sflag:s16] =	ssyncset.done $0x0  }
0x42: {  	[sflag:s16] =	ssyncadd.s32 $0xFFFFFE70  }
0x43: {  	s25 =	simm.s32 $0x0;
	[bflag:$0x0] =	sbarrier.arrive $0xFFFF  }
0x44: {  	[tilespmem:s18], [sflag:$0x1] =	stream.indirect.gather [hbm4b:s4+s17], $0x40, s25, s17, $0xb8;
	[tilespmem:$0x1D1A0] =	vst v63  }
0x45: {  	s28 =	simm.s32 $0x190  }
0x46: {  	[tilespmem:s19], [sflag:$0x2] =	stream.indirect.gather [hbm4b:s4+s17], $0x40, s28, s17, $0xb8;
	[tilespmem:$0x1D1A0] =	vst v63  }
0x47: {  	_ =	swait.ge [sflag:s20], $0x6400  }
0x48: {  	[sflag:s20] =	ssyncset.done $0x0  }
0x49: {  	s29 =	simm.s32 $0x2710;
	[sflag:s20] =	ssyncadd.s32 $0xFFFF9C00  }
0x4a: {  	[spmem:s1] =	stream.indirect.scatter.add.f32 [tilespmem:s18], [sflag:$0x4], $0x40, s29, s17, $0xb8;
	[tilespmem:$0x1D1A0] =	vst v63  }
0x4b: {  	_ =	swait.ge [sflag:s15], $0x6400  }
0x4c: {  	[sflag:s15] =	ssyncset.done $0x0  }
0x4d: {  	s30 =	simm.s32 $0x320;
	[sflag:s15] =	ssyncadd.s32 $0xFFFF9C00  }
0x4e: {  	[tilespmem:s18], [sflag:$0x1] =	stream.indirect.gather [hbm4b:s4+s17], $0x40, s30, s17, $0xb8;
	[tilespmem:$0x1D1A0] =	vst v63  }
0x4f: {  	_ =	swait.ge [sflag:s21], $0x6400  }
0x50: {  	[sflag:s21] =	ssyncset.done $0x0  }
0x51: {  	s31 =	simm.s32 $0x28A0;
	[sflag:s21] =	ssyncadd.s32 $0xFFFF9C00  }
0x52: {  	[spmem:s1] =	stream.indirect.scatter.add.f32 [tilespmem:s19], [sflag:$0x4], $0x40, s31, s17, $0xb8;
	[tilespmem:$0x1D1A0] =	vst v63  }
0x53: {  	_ =	swait.ge [sflag:s15], $0x6400  }
0x54: {  	s26 =	simm.s32 $0x1900;
	s25 =	simm.s32 $0x320;
	[sflag:s15] =	ssyncset.done $0x0  }
.LBB2_8:
0x55: {  	s28 =	sadd.s32 $0x190, s25  }
0x56: {  	[sflag:s15] =	ssyncadd.s32 $0xFFFF9C00;
	s29 =	smov.u32 s26;
	s30 =	sadd.s32 $0xC80, s26  }
0x57: {  	[tilespmem:s19], [sflag:$0x2] =	stream.indirect.gather [hbm4b:s4+s17], $0x40, s28, s17, $0xb8;
	[tilespmem:$0x1D1A0] =	vst v63  }
0x58: {  	p0 =	sne.s32 s26, $0x8980;
	_ =	swait.ge [sflag:s20], $0x6400  }
0x59: {  	[sflag:s20] =	ssyncset.done $0x0  }
0x5a: {  	s26 =	sadd.s32 $0x2710, s25;
	[sflag:s20] =	ssyncadd.s32 $0xFFFF9C00  }
0x5b: {  	[spmem:s1] =	stream.indirect.scatter.add.f32 [tilespmem:s18], [sflag:$0x4], $0x40, s26, s17, $0xb8;
	[tilespmem:$0x1D1A0] =	vst v63  }
0x5c: {  	_ =	swait.ge [sflag:s15], $0x6400  }
0x5d: {  	[sflag:s15] =	ssyncset.done $0x0  }
0x5e: {  	s26 =	sadd.s32 $0x320, s25;
	[sflag:s15] =	ssyncadd.s32 $0xFFFF9C00  }
0x5f: {  	[tilespmem:s18], [sflag:$0x1] =	stream.indirect.gather [hbm4b:s4+s17], $0x40, s26, s17, $0xb8;
	[tilespmem:$0x1D1A0] =	vst v63  }
0x60: {  	_ =	swait.ge [sflag:s21], $0x6400  }
.Ltmp3:
0x61: {  	[sflag:s21] =	ssyncset.done $0x0;
	(pc) =	sbr.rel @p0 .LBB2_8-.Ltmp3, $4  }
0x62: {  	s25 =	sadd.s32 $0x28A0, s25;
	[sflag:s21] =	ssyncadd.s32 $0xFFFF9C00  }
0x63: {  	[spmem:s1] =	stream.indirect.scatter.add.f32 [tilespmem:s19], [sflag:$0x4], $0x40, s25, s17, $0xb8;
	[tilespmem:$0x1D1A0] =	vst v63  }
0x64: {  	_ =	swait.ge [sflag:s15], $0x6400  }
0x65: {  	s26 =	smov.u32 s30;
	s25 =	sshra.s32 s29, $0x2;
	[sflag:s15] =	ssyncset.done $0x0  }
0x66: {  	s26 =	sadd.s32 $0x190, s25;
	[sflag:s15] =	ssyncadd.s32 $0xFFFF9C00  }
0x67: {  	[tilespmem:s19], [sflag:$0x2] =	stream.indirect.gather [hbm4b:s4+s17], $0x40, s26, s17, $0xb8;
	[tilespmem:$0x1D1A0] =	vst v63  }
0x68: {  	_ =	swait.ge [sflag:s20], $0x6400  }
0x69: {  	[sflag:s20] =	ssyncset.done $0x0  }
0x6a: {  	s28 =	sadd.s32 $0x2710, s25;
	[sflag:s20] =	ssyncadd.s32 $0xFFFF9C00  }
0x6b: {  	[spmem:s1] =	stream.indirect.scatter.add.f32 [tilespmem:s18], [sflag:$0x4], $0x40, s28, s17, $0xb8;
	[tilespmem:$0x1D1A0] =	vst v63  }
0x6c: {  	_ =	swait.ge [sflag:s15], $0x6400  }
0x6d: {  	[sflag:s15] =	ssyncset.done $0x0  }
0x6e: {  	s29 =	sadd.s32 $0x320, s25;
	[sflag:s15] =	ssyncadd.s32 $0xFFFF9C00  }
0x6f: {  	[tilespmem:s18], [sflag:$0x1] =	stream.indirect.gather [hbm4b:s4+s17], $0x40, s29, s17, $0xb8;
	[tilespmem:$0x1D1A0] =	vst v63  }
0x70: {  	_ =	swait.ge [sflag:s21], $0x6400  }
0x71: {  	[sflag:s21] =	ssyncset.done $0x0  }
0x72: {  	s30 =	sadd.s32 $0x28A0, s25;
	[sflag:s21] =	ssyncadd.s32 $0xFFFF9C00  }
0x73: {  	[spmem:s1] =	stream.indirect.scatter.add.f32 [tilespmem:s19], [sflag:$0x4], $0x40, s30, s17, $0xb8;
	[tilespmem:$0x1D1A0] =	vst v63  }
0x74: {  	_ =	swait.ge [sflag:s15], $0x6400  }
0x75: {  	[sflag:s15] =	ssyncset.done $0x0  }
0x76: {  	[sflag:s15] =	ssyncadd.s32 $0xFFFF9C00  }
0x77: {  	_ =	swait.ge [sflag:s20], $0x6400  }
0x78: {  	[sflag:s20] =	ssyncset.done $0x0  }
0x79: {  	[sflag:s20] =	ssyncadd.s32 $0xFFFF9C00  }
0x7a: {  	[spmem:s1] =	stream.indirect.scatter.add.f32 [tilespmem:s18], [sflag:$0x4], $0x40, s22, s17, $0xb8;
	[tilespmem:$0x1D1A0] =	vst v63  }
0x7b: {  	_ =	swait.ge [sflag:s15], $0x6400  }
0x7c: {  	s24 =	sadd.s32 $0x1, s24;
	[sflag:s15] =	ssyncset.done $0x0  }
0x7d: {  	s31 =	sshll.u32 s2, $0x6;
	p0 =	sne.s32 s24, s6;
	[sflag:s15] =	ssyncadd.s32 $0xFFFF9C00  }
.Ltmp4:
0x7e: {  	s25 =	sor.u32 $0x1C04, s31;
	[bflag:$0x0] =	sbarrier.arrive $0xFFFF;
	(pc) =	sbr.rel @p0 .LBB2_1-.Ltmp4, $4  }
0x7f: {  	[hbm:s5], [sflag:s25] =	dma.local [spmem:s23], $0x1388  }
0x80: {  	_ =	swait.ge [sflag:s15], $0x1388  }
0x81: {  	[sflag:s15] =	ssyncset.done $0x0  }
0x82: {  	[sflag:s15] =	ssyncadd.s32 $0xFFFFEC78  }
0x83: {  	_ =	sfence.sel $0x180000  }
0x84: {  	[bflag:$0x0] =	sbarrier.arrive $0xFFFF  }
0x85: {  	p0 =	sne.s32 s2, $0x0;
	_ =	strace $0x9000004A  }
0x86: {  	s0 =	sadd.s32 @!p0 $0x100000, s0;
	[bflag:$0x2] =	sbarrier.arrive $0xFFFF  }
0x87: {  	[sflag:s0] =	ssyncadd.tile.s32 @!p0 $0x1;
	_ =	shalt  }
.Lfunc_end2:
_tile_overlayer_lowered:
.L_overlay_start_2:
0x88: {  	(tag) =	ssettag $0x2  }
0x89: {  	s0 =	rddreg [dreg:$0x0];
	s2 =	stileid.u32  }
0x8a: {  	s1 =	rddreg [dreg:$0x1];
	p0 =	sne.s32 s2, $0x0  }
0x8b: {  	s3 =	rddreg [dreg:$0x2];
	[bflag:$0x3] =	sbarrier.arrive $0xFFFF;
	s2 =	simm.s32 @!p0 $0x1C04  }
0x8c: {  	[timem:s3], [sflag:s2] =	dma.local @!p0 [hbm:s0], s1  }
0x8d: {  	s0 =	simm.s32 @!p0 $0x4  }
0x8e: {  	_ =	swait.ge @!p0 [sflag:s0], s1  }
0x8f: {  	s1 =	ssub.s32 @!p0 $0x0, s1;
	[sflag:s0] =	ssyncset.done @!p0 $0x0  }
0x90: {  	[sflag:s0] =	ssyncadd.s32 @!p0 s1  }
0x91: {  	[bflag:$0x3] =	sbarrier.arrive $0xFFFF  }
0x92: {  	_ =	shalt  }

// kernel: kernel.15.cloned.1.call-start
scs
__scs_entry_jumppad:
0x0: {  	(pc) =	sbr.rel $0x88, $3  }
0x1: {  	(tag) =	ssettag $0x0;
	lr =	simm.s32 $0x1  }
0x2: {  	[smem:$0x3F99] =	sst lr;
	_ =	strace $0xD0000000  }
0x3: {  	_ = 	snop  }
0x4: {  	_ = 	snop  }
0x5: {  	_ = 	snop  }
0x6: {  	_ = 	snop  }
0x7: {  	_ = 	snop  }
__scs_overlays_trampoline_lowered:
0x8: {  	[smem:$0x3FA8] =	sst s0  }
0x9: {  	[smem:$0x3FA9] =	sst s1  }
0xa: {  	[smem:$0x3FAA] =	sst s2  }
0xb: {  	[smem:$0x3FAB] =	sst s3  }
0xc: {  	[smem:$0x3FAC] =	sst s4  }
0xd: {  	[smem:$0x3FAD] =	sst s5  }
0xe: {  	[smem:$0x3FAE] =	sst s6  }
0xf: {  	[smem:$0x3FAF] =	sst s7  }
0x10: {  	[smem:$0x3FB0] =	sst s8  }
0x11: {  	[smem:$0x3FB1] =	sst s9;
	s0 =	simm.s32 @!p0 $0x0  }
0x12: {  	s1 =	sld [smem:$0x3F97];
	s0 =	simm.s32 @p0 $0x1  }
0x13: {  	[smem:$0x3FB2] =	sst s0;
	s0 =	simm.s32 @!p1 $0x0  }
0x14: {  	s2 =	sld [smem:$0x3F96];
	s0 =	simm.s32 @p1 $0x1  }
0x15: {  	[smem:$0x3FB3] =	sst s0;
	s0 =	simm.s32 @!p2 $0x0  }
0x16: {  	s3 =	sld [smem:$0x3FDB];
	s0 =	simm.s32 @p2 $0x1  }
0x17: {  	s4 =	simm.s32 $0x1BF5;
	[smem:$0x3FB5] =	sst s0  }
0x18: {  	s0 =	sld [smem:$0x3F98];
	_ =	swait.ge [sflag:s4], $0x0  }
0x19: {  	s7 =	sld [smem:$0x3F99]  }
0x1a: {  	s8 =	sadd.s32 $0xFFFFE003, lr  }
0x1b: {  	s9 =	sadd.s32 $0xFFFFFEF7, lr;
	s5 =	simm.s32 $0xFFFFFFFF;
	p2 =	slt.u32 s8, $0xFFFFF086  }
0x1c: {  	p1 =	slt.u32 s9, $0xF7A;
	s5 =	simm.s32 @!p2 $0x0  }
0x1d: {  	s5 =	simm.s32 @p1 $0x1;
	p0 =	seq.s32 s7, s2  }
0x1e: {  	s7 =	smul.u32 @!p0 $0xF7A, s2;
	p2 =	seq.s32 @!p0 s5, $0x0  }
0x1f: {  	s9 =	smul.u32 $0xF7A, s1;
	s8 =	simm.s32 @!p0 $0x1BF5;
	p2 =	por !p2, p0  }
0x20: {  	[sflag:s8] =	ssyncset.s32 @!p0 $0xFFFFF086;
	s6 =	sadd.s32 @!p0 s3, s7;
	s7 =	simm.s32 @!p0 $0x108  }
0x21: {  	s3 =	sadd.s32 s3, s9;
	s6 =	sadd.s32 @!p0 $0x88, s6;
	s7 =	simm.s32 @p2 $0x1082  }
0x22: {  	[simem:s7], [sflag:s8] =	dma.local @!p0 [hbm:s6], $0xF7A  }
0x23: {  	s9 =	sor.u32 $0xD0000000, s2;
	s6 =	simm.s32 $0x108;
	_ =	swait.ge @!p0 [sflag:s8], $0x0  }
0x24: {  	s3 =	sadd.s32 $0x88, s3;
	s6 =	simm.s32 @!p1 $0x1082;
	[sflag:s4] =	ssyncset.s32 $0xFFFFF086  }
0x25: {  	[simem:s6], [sflag:s4] =	dma.local [hbm:s3], $0xF7A  }
0x26: {  	[smem:$0x3F99] =	sst s1;
	(tag) =	ssettag s2;
	_ =	strace s9  }
0x27: {  	s1 =	sld [smem:$0x3FA9]  }
0x28: {  	s2 =	sld [smem:$0x3FAA]  }
0x29: {  	s4 =	sld [smem:$0x3FAC]  }
0x2a: {  	p0 =	seq.s32 s5, $0x0;
	s5 =	sld [smem:$0x3FAD]  }
0x2b: {  	s6 =	sld [smem:$0x3FAE]  }
0x2c: {  	s7 =	sld [smem:$0x3FAF]  }
0x2d: {  	s3 =	simm.s32 $0x108;
	s8 =	sld [smem:$0x3FB0]  }
0x2e: {  	s3 =	simm.s32 @!p0 $0x1082;
	s9 =	sld [smem:$0x3FB1]  }
0x2f: {  	lr =	sadd.s32 s0, s3;
	s0 =	sld [smem:$0x3FA8]  }
0x30: {  	s3 =	sld [smem:$0x3FAB]  }
0x31: {  	[smem:$0x3FB4] =	sst s10  }
0x32: {  	s10 =	sld [smem:$0x3FB2];
	_ =	sdelay $0x3  }
0x33: {  	p0 =	seq.s32 s10, $0x1;
	s10 =	sld [smem:$0x3FB4];
	_ =	sdelay $0x3  }
0x34: {  	[smem:$0x3FB4] =	sst s10  }
0x35: {  	s10 =	sld [smem:$0x3FB3];
	_ =	sdelay $0x3  }
0x36: {  	p1 =	seq.s32 s10, $0x1;
	s10 =	sld [smem:$0x3FB4];
	_ =	sdelay $0x3  }
0x37: {  	[smem:$0x3FB4] =	sst s10  }
0x38: {  	s10 =	sld [smem:$0x3FB5]  }
0x39: {  	_ = 	snop;
	(pc) =	sbr.ind lr, $3  }
0x3a: {  	_ = 	snop  }
0x3b: {  	_ = 	snop  }
0x3c: {  	p2 =	seq.s32 s10, $0x1;
	s10 =	sld [smem:$0x3FB4]  }
0x3d: {  	_ =	shalt  }
0x3e: {  	_ =	shalt  }
0x3f: {  	_ =	shalt  }
0x40: {  	_ =	shalt  }
0x41: {  	_ =	shalt  }
0x42: {  	_ =	shalt  }
0x43: {  	_ =	shalt  }
0x44: {  	_ =	shalt  }
0x45: {  	_ =	shalt  }
0x46: {  	_ =	shalt  }
0x47: {  	_ =	shalt  }
0x48: {  	_ =	shalt  }
0x49: {  	_ =	shalt  }
0x4a: {  	_ =	shalt  }
0x4b: {  	_ =	shalt  }
0x4c: {  	_ =	shalt  }
0x4d: {  	_ =	shalt  }
0x4e: {  	_ =	shalt  }
0x4f: {  	_ =	shalt  }
0x50: {  	_ =	shalt  }
0x51: {  	_ =	shalt  }
0x52: {  	_ =	shalt  }
0x53: {  	_ =	shalt  }
0x54: {  	_ =	shalt  }
0x55: {  	_ =	shalt  }
0x56: {  	_ =	shalt  }
0x57: {  	_ =	shalt  }
0x58: {  	_ =	shalt  }
0x59: {  	_ =	shalt  }
0x5a: {  	_ =	shalt  }
0x5b: {  	_ =	shalt  }
0x5c: {  	_ =	shalt  }
0x5d: {  	_ =	shalt  }
0x5e: {  	_ =	shalt  }
0x5f: {  	_ =	shalt  }
0x60: {  	_ =	shalt  }
0x61: {  	_ =	shalt  }
0x62: {  	_ =	shalt  }
0x63: {  	_ =	shalt  }
0x64: {  	_ =	shalt  }
0x65: {  	_ =	shalt  }
0x66: {  	_ =	shalt  }
0x67: {  	_ =	shalt  }
0x68: {  	_ =	shalt  }
0x69: {  	_ =	shalt  }
0x6a: {  	_ =	shalt  }
0x6b: {  	_ =	shalt  }
0x6c: {  	_ =	shalt  }
0x6d: {  	_ =	shalt  }
0x6e: {  	_ =	shalt  }
0x6f: {  	_ =	shalt  }
0x70: {  	_ =	shalt  }
0x71: {  	_ =	shalt  }
0x72: {  	_ =	shalt  }
0x73: {  	_ =	shalt  }
0x74: {  	_ =	shalt  }
0x75: {  	_ =	shalt  }
0x76: {  	_ =	shalt  }
0x77: {  	_ =	shalt  }
0x78: {  	_ =	shalt  }
0x79: {  	_ =	shalt  }
0x7a: {  	_ =	shalt  }
0x7b: {  	_ =	shalt  }
0x7c: {  	_ =	shalt  }
0x7d: {  	_ =	shalt  }
0x7e: {  	_ =	shalt  }
0x7f: {  	_ =	shalt  }
0x80: {  	_ =	shalt  }
0x81: {  	_ =	shalt  }
0x82: {  	_ =	shalt  }
0x83: {  	_ =	shalt  }
0x84: {  	_ =	shalt  }
0x85: {  	_ =	shalt  }
0x86: {  	_ =	shalt  }
0x87: {  	_ =	shalt  }
.Lfunc_end0:
.L_simem_size_0:
called_computation.2_lowered:
.L_overlay_start_0:
0x88: {  	s2 =	sld [smem:$0x3FD9]  }
0x89: {  	s3 =	sld [smem:$0x3FFE];
	_ =	sdelay $0x1  }
0x8a: {  	s1 =	srdreg.scid  }
0x8b: {  	s0 =	sand.u32 $0x1, s1  }
0x8c: {  	s16 =	sshll.u32 s0, $0xA;
	s2 =	sadd.s32 s3, s2  }
0x8d: {  	s2 =	sadd.s32 s2, s16  }
0x8e: {  	[smem:$0x3FC0] =	sst s2  }
0x8f: {  	_ = 	snop  }
0x90: {  	(tm) =	ssettm $0x1  }
0x91: {  	s17 =	sld [smem:$0x3FFB];
	_ =	sdelay $0x3  }
0x92: {  	_ =	strace s17  }
0x93: {  	s2 =	sld [smem:$0x3FFC];
	_ =	sdelay $0x3  }
0x94: {  	_ =	strace s2  }
0x95: {  	s2 =	sld [smem:$0x3FFD];
	_ =	sdelay $0x3  }
0x96: {  	_ =	strace s2  }
0x97: {  	_ =	strace $0x8FFFFFFF  }
0x98: {  	s18 =	sld [smem:$0x3FDB];
	_ =	sdelay $0x1  }
0x99: {  	s19 =	simm.s32 $_scs_section_size  }
0x9a: {  	s4 =	simm.s32 $_size__tile_overlayer_lowered;
	s5 =	simm.s32 $_tile_overlayer_lowered  }
0x9b: {  	s22 =	simm.s32 $0x1BFF;
	s21 =	sshll.u32 s5, $0x1;
	s2 =	sadd.s32 s19, s18  }
0x9c: {  	s6 =	simm.s32 $0x0;
	s20 =	sshll.u32 s4, $0x1;
	s4 =	sadd.s32 s21, s2  }
0x9d: {  	[timem:s6], [sflag:s22] =	dma.local [hbm:s4], s20  }
0x9e: {  	_ =	swait.ge [sflag:s22], s20  }
0x9f: {  	s3 =	ssub.s32 $0x0, s20;
	[sflag:s22] =	ssyncset.done $0x0  }
0xa0: {  	[sflag:s22] =	ssyncadd.s32 s3;
	_ =	sdelay $0x1  }
0xa1: {  	s23 =	simm.s32 $0x1B8B  }
0xa2: {  	_ =	swait.ge [sflag:s23], $0x1  }
0xa3: {  	[sflag:s23] =	ssyncset.done $0x0  }
0xa4: {  	s25 =	simm.s32 $0x1B8E;
	s24 =	sld [smem:$0x3FFE];
	[sflag:s23] =	ssyncadd.s32 $0xFFFFFFFF  }
0xa5: {  	s26 =	simm.s32 $execute0_lowered;
	[smem:$0x3FD2] =	sst s25  }
0xa6: {  	s4 =	sshll.u32 s26, $0x1;
	_ =	strace $0x8000004C;
	[dreg:$0x1] =	wrdreg $0xFFFFFFFF  }
0xa7: {  	s28 =	simm.s32 $_size_execute0_lowered;
	s2 =	sadd.s32 s2, s4;
	[dreg:$0x0] =	wrdreg $0x0  }
0xa8: {  	s4 =	sshll.u32 s28, $0x1;
	[dreg:$0x2] =	wrdreg s2  }
0xa9: {  	[dreg:$0x3] =	wrdreg s4  }
0xaa: {  	[dreg:$0x4] =	wrdreg $0xC0  }
0xab: {  	_ =	task [dreg:s6], $0x5FFFF  }
0xac: {  	[dreg:$0x1] =	wrdreg $0xFFFFFFFF  }
0xad: {  	[dreg:$0x0] =	wrdreg $0x60  }
0xae: {  	[dreg:$0x2] =	wrdreg s24  }
0xaf: {  	[dreg:$0x3] =	wrdreg $0xC1C00  }
0xb0: {  	[dreg:$0x4] =	wrdreg $0x9  }
0xb1: {  	_ =	task.clear_ibuf [dreg:s6], $0x5FFFF;
	_ =	strace $0x9000004C  }
0xb2: {  	s29 =	simm.s32 $0x9;
	_ =	strace $0x8000004E  }
0xb3: {  	_ =	swait.ge [sflag:s29], $0x1  }
0xb4: {  	[sflag:s29] =	ssyncadd.s32 $0xFFFFFFFF  }
0xb5: {  	_ =	strace $0x9000004E  }
0xb6: {  	_ =	sfence  }
0xb7: {  	s30 =	sld [smem:$0x0];
	_ =	sdelay $0x2  }
0xb8: {  	s31 =	sshll.u32 s1, $0xD;
	s1 =	sshrl.u32 s1, $0x2  }
0xb9: {  	s3 =	sand.u32 $0x4000, s31;
	s1 =	sadd.s32 s1, s30  }
0xba: {  	s0 =	sor.u32 s3, s0;
	s1 =	sshll.u32 s1, $0x11  }
0xbb: {  	s0 =	sor.u32 s1, s0  }
0xbc: {  	s0 =	sadd.s32 $0x8F2B, s0  }
0xbd: {  	[sflag:s0] =	ssyncadd.remote.s32 $0x1  }
0xbe: {  	_ =	sfence.sel $0xFFFF  }
0xbf: {  	[dreg:$0x0] =	wrdreg $0xFFFFFFFF;
	(pc) =	sbr.abs _section_cstart, $3  }
0xc0: {  	[dreg:$0x1] =	wrdreg $0xFFFFFFFF  }
0xc1: {  	_ =	task.clear_ibuf [dreg:s6], $0x2FFFF;
	_ =	strace $0x9FFFFFFF  }
0xc2: {  	(tm) =	ssettm $0x7FFFFFFF  }
0xc3: {  	_ =	shalt  }
tec
execute0_lowered:
.L_overlay_start_1:
0x0: {  	(tag) =	ssettag $0x1  }
0x1: {  	s5 =	rddreg [dreg:$0x0]  }
0x2: {  	s1 =	rddreg [dreg:$0x1]  }
0x3: {  	s2 =	srdreg.scid;
	s0 =	rddreg [dreg:$0x2];
	s3 =	simm.s32 $0x0  }
0x4: {  	s15 =	simm.s32 $0x4;
	s16 =	simm.s32 $0x3;
	s17 =	simm.s32 $0x190  }
0x5: {  	s18 =	simm.s32 $0x4E20;
	s19 =	simm.s32 $0x8020;
	s20 =	simm.s32 $0x1  }
0x6: {  	s21 =	simm.s32 $0x2;
	s22 =	simm.s32 $0x4C90;
	s6 =	sand.u32 $0x1, s2  }
0x7: {  	s24 =	simm.s32 $0x0;
	s2 =	stileid.u32;
	s7 =	smul.u32 $0x4E200, s6  }
0x8: {  	[smem:$0x7FF] =	sst s3;
	s4 =	sadd.s32 $0x15600, s5;
	s10 =	smul.u32 $0x4E20, s2  }
0x9: {  	s13 =	sadd.s32 $0x1C00, s5;
	s8 =	ssub.s32 $0x2, s6;
	s11 =	smul.u32 $0x13880, s2  }
0xa: {  	_ =	strace $0x8000004D;
	s31 =	smul.u32 $0x2710, s6;
	s9 =	sshrl.u32 s8, $0x1  }
0xb: {  	s7 =	sadd.s32 s10, s7;
	s29 =	ssub.s32 s8, s9;
	s30 =	sshrl.u32 s11, $0x2  }
0xc: {  	s23 =	sadd.s32 s10, s1;
	s11 =	sadd.s32 s31, s10;
	s7 =	sshrl.u32 s7, $0x3  }
0xd: {  	s6 =	smax.u32 s29, $0x1;
	s12 =	sshrl.u32 s11, $0x3;
	s14 =	sadd.s32 $0x4E200, s11  }
0xe: {  	s23 =	sshrl.u32 s23, $0x3;
	s5 =	sadd.s32 s7, s5;
	s7 =	sadd.s32 s30, s1  }
0xf: {  	s12 =	sadd.s32 s12, s13;
	s14 =	sshrl.u32 s14, $0x3;
	s5 =	sadd.s32 $0x1F400, s5  }
0x10: {  	s8 =	sadd.s32 $0xFA0, s7;
	s9 =	sadd.s32 $0x1F40, s7;
	s10 =	sadd.s32 $0x2EE0, s7  }
0x11: {  	v0 =	vimm.f32 $0.0e+00;
	s11 =	sadd.s32 $0x3E80, s7;
	s13 =	sadd.s32 s14, s13;
	s14 =	simm.s32 $0xB220  }
.LBB2_1:
0x12: {  	s25 =	simm.s32 $0x80;
	s26 =	simm.s32 $0x0  }
.LBB2_2:
0x13: {  	p0 =	sne.s32 s25, $0x3E00;
	[tilespmem:s26+$0xB220] =	vst v0;
	s28 =	smov.u32 s25;
	s25 =	sadd.s32 $0x80, s25  }
.Ltmp0:
0x14: {  	[tilespmem:s26+$0xB230] =	vst v0;
	(pc) =	sbr.rel @p0 .LBB2_2-.Ltmp0, $2  }
0x15: {  	_ =	sdelay $0x2  }
0x16: {  	s26 =	sshra.s32 s28, $0x2  }
0x17: {  	[tilespmem:s26+$0xB220] =	vst v0  }
0x18: {  	[tilespmem:s26+$0xB230] =	vst v0  }
0x19: {  	[spmem:s7] =	stream.linear.scatter [tilespmem:s14], [sflag:$0x4], $0xFA0, $0x38;
	[tilespmem:$0x10FE0] =	vst v63  }
0x1a: {  	_ =	swait.ge [sflag:s15], $0xFA0  }
0x1b: {  	[sflag:s15] =	ssyncset.done $0x0  }
0x1c: {  	[sflag:s15] =	ssyncadd.s32 $0xFFFFF060  }
0x1d: {  	[spmem:s8] =	stream.linear.scatter [tilespmem:s14], [sflag:$0x4], $0xFA0, $0x38;
	[tilespmem:$0x10FE0] =	vst v63  }
0x1e: {  	_ =	swait.ge [sflag:s15], $0xFA0  }
0x1f: {  	[sflag:s15] =	ssyncset.done $0x0  }
0x20: {  	[sflag:s15] =	ssyncadd.s32 $0xFFFFF060  }
0x21: {  	[spmem:s9] =	stream.linear.scatter [tilespmem:s14], [sflag:$0x4], $0xFA0, $0x38;
	[tilespmem:$0x10FE0] =	vst v63  }
0x22: {  	_ =	swait.ge [sflag:s15], $0xFA0  }
0x23: {  	[sflag:s15] =	ssyncset.done $0x0  }
0x24: {  	[sflag:s15] =	ssyncadd.s32 $0xFFFFF060  }
0x25: {  	[spmem:s10] =	stream.linear.scatter [tilespmem:s14], [sflag:$0x4], $0xFA0, $0x38;
	[tilespmem:$0x10FE0] =	vst v63  }
0x26: {  	_ =	swait.ge [sflag:s15], $0xFA0  }
0x27: {  	[sflag:s15] =	ssyncset.done $0x0  }
0x28: {  	[sflag:s15] =	ssyncadd.s32 $0xFFFFF060  }
0x29: {  	[spmem:s11] =	stream.linear.scatter [tilespmem:s14], [sflag:$0x4], $0xFA0, $0x38;
	[tilespmem:$0x10FE0] =	vst v63  }
0x2a: {  	_ =	swait.ge [sflag:s15], $0xFA0  }
0x2b: {  	s25 =	simm.s32 $0x0;
	[sflag:s15] =	ssyncset.done $0x0  }
0x2c: {  	s30 =	sadd.s32 $0x0, s12;
	s31 =	sadd.s32 $0x0, s13;
	[sflag:s15] =	ssyncadd.s32 $0xFFFFF060  }
0x2d: {  	[tilespmem:s25], [sflag:$0x3] =	stream.linear.gather [hbm4b:s30+s3], $0x190, $0x38;
	[tilespmem:$0x10FE0] =	vst v63  }
0x2e: {  	s26 =	simm.s32 $0x32;
	s28 =	simm.s32 $0x190;
	s25 =	simm.s32 $0x2710  }
0x2f: {  	[tilespmem:s25], [sflag:$0x3] =	stream.linear.gather [hbm4b:s31+s3], $0x190, $0x38;
	[tilespmem:$0x10FE0] =	vst v63  }
.LBB2_4:
0x30: {  	s29 =	sadd.s32 s26, s12  }
0x31: {  	p0 =	sne.s32 s26, $0x4B0;
	s30 =	smov.u32 s26;
	s26 =	sadd.s32 $0x32, s26  }
0x32: {  	[tilespmem:s28], [sflag:$0x3] =	stream.linear.gather [hbm4b:s29+s3], $0x190, $0x38;
	[tilespmem:$0x10FE0] =	vst v63  }
.Ltmp1:
0x33: {  	_ = 	snop;
	(pc) =	sbr.rel @p0 .LBB2_4-.Ltmp1, $4  }
0x34: {  	s25 =	sadd.s32 $0x190, s25;
	s29 =	sadd.s32 s30, s13  }
0x35: {  	[tilespmem:s25], [sflag:$0x3] =	stream.linear.gather [hbm4b:s29+s3], $0x190, $0x38;
	[tilespmem:$0x10FE0] =	vst v63  }
0x36: {  	_ = 	snop  }
0x37: {  	s28 =	sadd.s32 $0x190, s28  }
0x38: {  	_ =	swait.ge [sflag:s16], $0x190  }
0x39: {  	s25 =	simm.s32 $0x31;
	[sflag:s16] =	ssyncset.done $0x0  }
.LBB2_6:
0x3a: {  	p0 =	sne.s32 s25, $0x1;
	s25 =	sadd.s32 $0xFFFFFFFF, s25;
	[sflag:s16] =	ssyncadd.s32 $0xFFFFFE70  }
.Ltmp2:
0x3b: {  	(pc) =	sbr.rel @p0 .LBB2_6-.Ltmp2, $3  }
0x3c: {  	_ =	sdelay $0x1  }
0x3d: {  	_ =	swait.ge [sflag:s16], $0x190  }
0x3e: {  	[sflag:s16] =	ssyncset.done $0x0  }
0x3f: {  	[sflag:s16] =	ssyncadd.s32 $0xFFFFFE70  }
0x40: {  	s25 =	simm.s32 $0x0;
	[bflag:$0x0] =	sbarrier.arrive $0xFFFF  }
0x41: {  	[tilespmem:s18], [sflag:$0x1] =	stream.indirect.gather [hbm4b:s4+s17], $0x20, s25, s17, $0xb8;
	[tilespmem:$0x10FE0] =	vst v63  }
0x42: {  	s28 =	simm.s32 $0x190  }
0x43: {  	[tilespmem:s19], [sflag:$0x2] =	stream.indirect.gather [hbm4b:s4+s17], $0x20, s28, s17, $0xb8;
	[tilespmem:$0x10FE0] =	vst v63  }
0x44: {  	_ =	swait.ge [sflag:s20], $0x3200  }
0x45: {  	[sflag:s20] =	ssyncset.done $0x0  }
0x46: {  	s29 =	simm.s32 $0x2710;
	[sflag:s20] =	ssyncadd.s32 $0xFFFFCE00  }
0x47: {  	[spmem:s1] =	stream.indirect.scatter.add.f32 [tilespmem:s18], [sflag:$0x4], $0x20, s29, s17, $0xb8;
	[tilespmem:$0x10FE0] =	vst v63  }
0x48: {  	_ =	swait.ge [sflag:s15], $0x3200  }
0x49: {  	[sflag:s15] =	ssyncset.done $0x0  }
0x4a: {  	s30 =	simm.s32 $0x320;
	[sflag:s15] =	ssyncadd.s32 $0xFFFFCE00  }
0x4b: {  	[tilespmem:s18], [sflag:$0x1] =	stream.indirect.gather [hbm4b:s4+s17], $0x20, s30, s17, $0xb8;
	[tilespmem:$0x10FE0] =	vst v63  }
0x4c: {  	_ =	swait.ge [sflag:s21], $0x3200  }
0x4d: {  	[sflag:s21] =	ssyncset.done $0x0  }
0x4e: {  	s31 =	simm.s32 $0x28A0;
	[sflag:s21] =	ssyncadd.s32 $0xFFFFCE00  }
0x4f: {  	[spmem:s1] =	stream.indirect.scatter.add.f32 [tilespmem:s19], [sflag:$0x4], $0x20, s31, s17, $0xb8;
	[tilespmem:$0x10FE0] =	vst v63  }
0x50: {  	_ =	swait.ge [sflag:s15], $0x3200  }
0x51: {  	s26 =	simm.s32 $0x1900;
	s25 =	simm.s32 $0x320;
	[sflag:s15] =	ssyncset.done $0x0  }
.LBB2_8:
0x52: {  	s28 =	sadd.s32 $0x190, s25  }
0x53: {  	[sflag:s15] =	ssyncadd.s32 $0xFFFFCE00;
	s29 =	smov.u32 s26;
	s30 =	sadd.s32 $0xC80, s26  }
0x54: {  	[tilespmem:s19], [sflag:$0x2] =	stream.indirect.gather [hbm4b:s4+s17], $0x20, s28, s17, $0xb8;
	[tilespmem:$0x10FE0] =	vst v63  }
0x55: {  	p0 =	sne.s32 s26, $0x8980;
	_ =	swait.ge [sflag:s20], $0x3200  }
0x56: {  	[sflag:s20] =	ssyncset.done $0x0  }
0x57: {  	s26 =	sadd.s32 $0x2710, s25;
	[sflag:s20] =	ssyncadd.s32 $0xFFFFCE00  }
0x58: {  	[spmem:s1] =	stream.indirect.scatter.add.f32 [tilespmem:s18], [sflag:$0x4], $0x20, s26, s17, $0xb8;
	[tilespmem:$0x10FE0] =	vst v63  }
0x59: {  	_ =	swait.ge [sflag:s15], $0x3200  }
0x5a: {  	[sflag:s15] =	ssyncset.done $0x0  }
0x5b: {  	s26 =	sadd.s32 $0x320, s25;
	[sflag:s15] =	ssyncadd.s32 $0xFFFFCE00  }
0x5c: {  	[tilespmem:s18], [sflag:$0x1] =	stream.indirect.gather [hbm4b:s4+s17], $0x20, s26, s17, $0xb8;
	[tilespmem:$0x10FE0] =	vst v63  }
0x5d: {  	_ =	swait.ge [sflag:s21], $0x3200  }
.Ltmp3:
0x5e: {  	[sflag:s21] =	ssyncset.done $0x0;
	(pc) =	sbr.rel @p0 .LBB2_8-.Ltmp3, $4  }
0x5f: {  	s25 =	sadd.s32 $0x28A0, s25;
	[sflag:s21] =	ssyncadd.s32 $0xFFFFCE00  }
0x60: {  	[spmem:s1] =	stream.indirect.scatter.add.f32 [tilespmem:s19], [sflag:$0x4], $0x20, s25, s17, $0xb8;
	[tilespmem:$0x10FE0] =	vst v63  }
0x61: {  	_ =	swait.ge [sflag:s15], $0x3200  }
0x62: {  	s26 =	smov.u32 s30;
	s25 =	sshra.s32 s29, $0x2;
	[sflag:s15] =	ssyncset.done $0x0  }
0x63: {  	s26 =	sadd.s32 $0x190, s25;
	[sflag:s15] =	ssyncadd.s32 $0xFFFFCE00  }
0x64: {  	[tilespmem:s19], [sflag:$0x2] =	stream.indirect.gather [hbm4b:s4+s17], $0x20, s26, s17, $0xb8;
	[tilespmem:$0x10FE0] =	vst v63  }
0x65: {  	_ =	swait.ge [sflag:s20], $0x3200  }
0x66: {  	[sflag:s20] =	ssyncset.done $0x0  }
0x67: {  	s28 =	sadd.s32 $0x2710, s25;
	[sflag:s20] =	ssyncadd.s32 $0xFFFFCE00  }
0x68: {  	[spmem:s1] =	stream.indirect.scatter.add.f32 [tilespmem:s18], [sflag:$0x4], $0x20, s28, s17, $0xb8;
	[tilespmem:$0x10FE0] =	vst v63  }
0x69: {  	_ =	swait.ge [sflag:s15], $0x3200  }
0x6a: {  	[sflag:s15] =	ssyncset.done $0x0  }
0x6b: {  	s29 =	sadd.s32 $0x320, s25;
	[sflag:s15] =	ssyncadd.s32 $0xFFFFCE00  }
0x6c: {  	[tilespmem:s18], [sflag:$0x1] =	stream.indirect.gather [hbm4b:s4+s17], $0x20, s29, s17, $0xb8;
	[tilespmem:$0x10FE0] =	vst v63  }
0x6d: {  	_ =	swait.ge [sflag:s21], $0x3200  }
0x6e: {  	[sflag:s21] =	ssyncset.done $0x0  }
0x6f: {  	s30 =	sadd.s32 $0x28A0, s25;
	[sflag:s21] =	ssyncadd.s32 $0xFFFFCE00  }
0x70: {  	[spmem:s1] =	stream.indirect.scatter.add.f32 [tilespmem:s19], [sflag:$0x4], $0x20, s30, s17, $0xb8;
	[tilespmem:$0x10FE0] =	vst v63  }
0x71: {  	_ =	swait.ge [sflag:s15], $0x3200  }
0x72: {  	[sflag:s15] =	ssyncset.done $0x0  }
0x73: {  	[sflag:s15] =	ssyncadd.s32 $0xFFFFCE00  }
0x74: {  	_ =	swait.ge [sflag:s20], $0x3200  }
0x75: {  	[sflag:s20] =	ssyncset.done $0x0  }
0x76: {  	[sflag:s20] =	ssyncadd.s32 $0xFFFFCE00  }
0x77: {  	[spmem:s1] =	stream.indirect.scatter.add.f32 [tilespmem:s18], [sflag:$0x4], $0x20, s22, s17, $0xb8;
	[tilespmem:$0x10FE0] =	vst v63  }
0x78: {  	_ =	swait.ge [sflag:s15], $0x3200  }
0x79: {  	s24 =	sadd.s32 $0x1, s24;
	[sflag:s15] =	ssyncset.done $0x0  }
0x7a: {  	s31 =	sshll.u32 s2, $0x6;
	p0 =	sne.s32 s24, s6;
	[sflag:s15] =	ssyncadd.s32 $0xFFFFCE00  }
.Ltmp4:
0x7b: {  	s25 =	sor.u32 $0x1C04, s31;
	[bflag:$0x0] =	sbarrier.arrive $0xFFFF;
	(pc) =	sbr.rel @p0 .LBB2_1-.Ltmp4, $4  }
0x7c: {  	[hbm:s5], [sflag:s25] =	dma.local [spmem:s23], $0x9C4  }
0x7d: {  	_ =	swait.ge [sflag:s15], $0x9C4  }
0x7e: {  	[sflag:s15] =	ssyncset.done $0x0  }
0x7f: {  	[sflag:s15] =	ssyncadd.s32 $0xFFFFF63C  }
0x80: {  	_ =	sfence.sel $0x180000  }
0x81: {  	[bflag:$0x0] =	sbarrier.arrive $0xFFFF  }
0x82: {  	p0 =	sne.s32 s2, $0x0;
	_ =	strace $0x9000004D  }
0x83: {  	s0 =	sadd.s32 @!p0 $0x100000, s0;
	[bflag:$0x2] =	sbarrier.arrive $0xFFFF  }
0x84: {  	[sflag:s0] =	ssyncadd.tile.s32 @!p0 $0x1;
	_ =	shalt  }
.Lfunc_end2:
_tile_overlayer_lowered:
.L_overlay_start_2:
0x85: {  	(tag) =	ssettag $0x2  }
0x86: {  	s0 =	rddreg [dreg:$0x0];
	s2 =	stileid.u32  }
0x87: {  	s1 =	rddreg [dreg:$0x1];
	p0 =	sne.s32 s2, $0x0  }
0x88: {  	s3 =	rddreg [dreg:$0x2];
	[bflag:$0x3] =	sbarrier.arrive $0xFFFF;
	s2 =	simm.s32 @!p0 $0x1C04  }
0x89: {  	[timem:s3], [sflag:s2] =	dma.local @!p0 [hbm:s0], s1  }
0x8a: {  	s0 =	simm.s32 @!p0 $0x4  }
0x8b: {  	_ =	swait.ge @!p0 [sflag:s0], s1  }
0x8c: {  	s1 =	ssub.s32 @!p0 $0x0, s1;
	[sflag:s0] =	ssyncset.done @!p0 $0x0  }
0x8d: {  	[sflag:s0] =	ssyncadd.s32 @!p0 s1  }
0x8e: {  	[bflag:$0x3] =	sbarrier.arrive $0xFFFF  }
0x8f: {  	_ =	shalt  }

// kernel: kernel.9.cloned.1.call-start
scs
__scs_entry_jumppad:
0x0: {  	(pc) =	sbr.rel $0x88, $3  }
0x1: {  	(tag) =	ssettag $0x0;
	lr =	simm.s32 $0x1  }
0x2: {  	[smem:$0x3F99] =	sst lr;
	_ =	strace $0xD0000000  }
0x3: {  	_ = 	snop  }
0x4: {  	_ = 	snop  }
0x5: {  	_ = 	snop  }
0x6: {  	_ = 	snop  }
0x7: {  	_ = 	snop  }
__scs_overlays_trampoline_lowered:
0x8: {  	[smem:$0x3FA8] =	sst s0  }
0x9: {  	[smem:$0x3FA9] =	sst s1  }
0xa: {  	[smem:$0x3FAA] =	sst s2  }
0xb: {  	[smem:$0x3FAB] =	sst s3  }
0xc: {  	[smem:$0x3FAC] =	sst s4  }
0xd: {  	[smem:$0x3FAD] =	sst s5  }
0xe: {  	[smem:$0x3FAE] =	sst s6  }
0xf: {  	[smem:$0x3FAF] =	sst s7  }
0x10: {  	[smem:$0x3FB0] =	sst s8  }
0x11: {  	[smem:$0x3FB1] =	sst s9;
	s0 =	simm.s32 @!p0 $0x0  }
0x12: {  	s1 =	sld [smem:$0x3F97];
	s0 =	simm.s32 @p0 $0x1  }
0x13: {  	[smem:$0x3FB2] =	sst s0;
	s0 =	simm.s32 @!p1 $0x0  }
0x14: {  	s2 =	sld [smem:$0x3F96];
	s0 =	simm.s32 @p1 $0x1  }
0x15: {  	[smem:$0x3FB3] =	sst s0;
	s0 =	simm.s32 @!p2 $0x0  }
0x16: {  	s3 =	sld [smem:$0x3FDB];
	s0 =	simm.s32 @p2 $0x1  }
0x17: {  	s4 =	simm.s32 $0x1BF5;
	[smem:$0x3FB5] =	sst s0  }
0x18: {  	s0 =	sld [smem:$0x3F98];
	_ =	swait.ge [sflag:s4], $0x0  }
0x19: {  	s7 =	sld [smem:$0x3F99]  }
0x1a: {  	s8 =	sadd.s32 $0xFFFFE003, lr  }
0x1b: {  	s9 =	sadd.s32 $0xFFFFFEF7, lr;
	s5 =	simm.s32 $0xFFFFFFFF;
	p2 =	slt.u32 s8, $0xFFFFF086  }
0x1c: {  	p1 =	slt.u32 s9, $0xF7A;
	s5 =	simm.s32 @!p2 $0x0  }
0x1d: {  	s5 =	simm.s32 @p1 $0x1;
	p0 =	seq.s32 s7, s2  }
0x1e: {  	s7 =	smul.u32 @!p0 $0xF7A, s2;
	p2 =	seq.s32 @!p0 s5, $0x0  }
0x1f: {  	s9 =	smul.u32 $0xF7A, s1;
	s8 =	simm.s32 @!p0 $0x1BF5;
	p2 =	por !p2, p0  }
0x20: {  	[sflag:s8] =	ssyncset.s32 @!p0 $0xFFFFF086;
	s6 =	sadd.s32 @!p0 s3, s7;
	s7 =	simm.s32 @!p0 $0x108  }
0x21: {  	s3 =	sadd.s32 s3, s9;
	s6 =	sadd.s32 @!p0 $0x88, s6;
	s7 =	simm.s32 @p2 $0x1082  }
0x22: {  	[simem:s7], [sflag:s8] =	dma.local @!p0 [hbm:s6], $0xF7A  }
0x23: {  	s9 =	sor.u32 $0xD0000000, s2;
	s6 =	simm.s32 $0x108;
	_ =	swait.ge @!p0 [sflag:s8], $0x0  }
0x24: {  	s3 =	sadd.s32 $0x88, s3;
	s6 =	simm.s32 @!p1 $0x1082;
	[sflag:s4] =	ssyncset.s32 $0xFFFFF086  }
0x25: {  	[simem:s6], [sflag:s4] =	dma.local [hbm:s3], $0xF7A  }
0x26: {  	[smem:$0x3F99] =	sst s1;
	(tag) =	ssettag s2;
	_ =	strace s9  }
0x27: {  	s1 =	sld [smem:$0x3FA9]  }
0x28: {  	s2 =	sld [smem:$0x3FAA]  }
0x29: {  	s4 =	sld [smem:$0x3FAC]  }
0x2a: {  	p0 =	seq.s32 s5, $0x0;
	s5 =	sld [smem:$0x3FAD]  }
0x2b: {  	s6 =	sld [smem:$0x3FAE]  }
0x2c: {  	s7 =	sld [smem:$0x3FAF]  }
0x2d: {  	s3 =	simm.s32 $0x108;
	s8 =	sld [smem:$0x3FB0]  }
0x2e: {  	s3 =	simm.s32 @!p0 $0x1082;
	s9 =	sld [smem:$0x3FB1]  }
0x2f: {  	lr =	sadd.s32 s0, s3;
	s0 =	sld [smem:$0x3FA8]  }
0x30: {  	s3 =	sld [smem:$0x3FAB]  }
0x31: {  	[smem:$0x3FB4] =	sst s10  }
0x32: {  	s10 =	sld [smem:$0x3FB2];
	_ =	sdelay $0x3  }
0x33: {  	p0 =	seq.s32 s10, $0x1;
	s10 =	sld [smem:$0x3FB4];
	_ =	sdelay $0x3  }
0x34: {  	[smem:$0x3FB4] =	sst s10  }
0x35: {  	s10 =	sld [smem:$0x3FB3];
	_ =	sdelay $0x3  }
0x36: {  	p1 =	seq.s32 s10, $0x1;
	s10 =	sld [smem:$0x3FB4];
	_ =	sdelay $0x3  }
0x37: {  	[smem:$0x3FB4] =	sst s10  }
0x38: {  	s10 =	sld [smem:$0x3FB5]  }
0x39: {  	_ = 	snop;
	(pc) =	sbr.ind lr, $3  }
0x3a: {  	_ = 	snop  }
0x3b: {  	_ = 	snop  }
0x3c: {  	p2 =	seq.s32 s10, $0x1;
	s10 =	sld [smem:$0x3FB4]  }
0x3d: {  	_ =	shalt  }
0x3e: {  	_ =	shalt  }
0x3f: {  	_ =	shalt  }
0x40: {  	_ =	shalt  }
0x41: {  	_ =	shalt  }
0x42: {  	_ =	shalt  }
0x43: {  	_ =	shalt  }
0x44: {  	_ =	shalt  }
0x45: {  	_ =	shalt  }
0x46: {  	_ =	shalt  }
0x47: {  	_ =	shalt  }
0x48: {  	_ =	shalt  }
0x49: {  	_ =	shalt  }
0x4a: {  	_ =	shalt  }
0x4b: {  	_ =	shalt  }
0x4c: {  	_ =	shalt  }
0x4d: {  	_ =	shalt  }
0x4e: {  	_ =	shalt  }
0x4f: {  	_ =	shalt  }
0x50: {  	_ =	shalt  }
0x51: {  	_ =	shalt  }
0x52: {  	_ =	shalt  }
0x53: {  	_ =	shalt  }
0x54: {  	_ =	shalt  }
0x55: {  	_ =	shalt  }
0x56: {  	_ =	shalt  }
0x57: {  	_ =	shalt  }
0x58: {  	_ =	shalt  }
0x59: {  	_ =	shalt  }
0x5a: {  	_ =	shalt  }
0x5b: {  	_ =	shalt  }
0x5c: {  	_ =	shalt  }
0x5d: {  	_ =	shalt  }
0x5e: {  	_ =	shalt  }
0x5f: {  	_ =	shalt  }
0x60: {  	_ =	shalt  }
0x61: {  	_ =	shalt  }
0x62: {  	_ =	shalt  }
0x63: {  	_ =	shalt  }
0x64: {  	_ =	shalt  }
0x65: {  	_ =	shalt  }
0x66: {  	_ =	shalt  }
0x67: {  	_ =	shalt  }
0x68: {  	_ =	shalt  }
0x69: {  	_ =	shalt  }
0x6a: {  	_ =	shalt  }
0x6b: {  	_ =	shalt  }
0x6c: {  	_ =	shalt  }
0x6d: {  	_ =	shalt  }
0x6e: {  	_ =	shalt  }
0x6f: {  	_ =	shalt  }
0x70: {  	_ =	shalt  }
0x71: {  	_ =	shalt  }
0x72: {  	_ =	shalt  }
0x73: {  	_ =	shalt  }
0x74: {  	_ =	shalt  }
0x75: {  	_ =	shalt  }
0x76: {  	_ =	shalt  }
0x77: {  	_ =	shalt  }
0x78: {  	_ =	shalt  }
0x79: {  	_ =	shalt  }
0x7a: {  	_ =	shalt  }
0x7b: {  	_ =	shalt  }
0x7c: {  	_ =	shalt  }
0x7d: {  	_ =	shalt  }
0x7e: {  	_ =	shalt  }
0x7f: {  	_ =	shalt  }
0x80: {  	_ =	shalt  }
0x81: {  	_ =	shalt  }
0x82: {  	_ =	shalt  }
0x83: {  	_ =	shalt  }
0x84: {  	_ =	shalt  }
0x85: {  	_ =	shalt  }
0x86: {  	_ =	shalt  }
0x87: {  	_ =	shalt  }
.Lfunc_end0:
.L_simem_size_0:
called_computation_lowered:
.L_overlay_start_0:
0x88: {  	s2 =	sld [smem:$0x3FD9]  }
0x89: {  	s3 =	sld [smem:$0x3FFE];
	_ =	sdelay $0x1  }
0x8a: {  	s1 =	srdreg.scid  }
0x8b: {  	s0 =	sand.u32 $0x1, s1  }
0x8c: {  	s16 =	sshll.u32 s0, $0xA;
	s2 =	sadd.s32 s3, s2  }
0x8d: {  	s2 =	sadd.s32 s2, s16  }
0x8e: {  	[smem:$0x3FC0] =	sst s2  }
0x8f: {  	_ = 	snop  }
0x90: {  	(tm) =	ssettm $0x1  }
0x91: {  	s17 =	sld [smem:$0x3FFB];
	_ =	sdelay $0x3  }
0x92: {  	_ =	strace s17  }
0x93: {  	s2 =	sld [smem:$0x3FFC];
	_ =	sdelay $0x3  }
0x94: {  	_ =	strace s2  }
0x95: {  	s2 =	sld [smem:$0x3FFD];
	_ =	sdelay $0x3  }
0x96: {  	_ =	strace s2  }
0x97: {  	_ =	strace $0x8FFFFFFF  }
0x98: {  	s18 =	sld [smem:$0x3FDB];
	_ =	sdelay $0x1  }
0x99: {  	s19 =	simm.s32 $_scs_section_size  }
0x9a: {  	s4 =	simm.s32 $_size__tile_overlayer_lowered;
	s5 =	simm.s32 $_tile_overlayer_lowered  }
0x9b: {  	s22 =	simm.s32 $0x1BFF;
	s21 =	sshll.u32 s5, $0x1;
	s2 =	sadd.s32 s19, s18  }
0x9c: {  	s6 =	simm.s32 $0x0;
	s20 =	sshll.u32 s4, $0x1;
	s4 =	sadd.s32 s21, s2  }
0x9d: {  	[timem:s6], [sflag:s22] =	dma.local [hbm:s4], s20  }
0x9e: {  	_ =	swait.ge [sflag:s22], s20  }
0x9f: {  	s3 =	ssub.s32 $0x0, s20;
	[sflag:s22] =	ssyncset.done $0x0  }
0xa0: {  	[sflag:s22] =	ssyncadd.s32 s3;
	_ =	sdelay $0x1  }
0xa1: {  	s23 =	simm.s32 $0x1B8B  }
0xa2: {  	_ =	swait.ge [sflag:s23], $0x1  }
0xa3: {  	[sflag:s23] =	ssyncset.done $0x0  }
0xa4: {  	s25 =	simm.s32 $0x1B8E;
	s24 =	sld [smem:$0x3FFE];
	[sflag:s23] =	ssyncadd.s32 $0xFFFFFFFF  }
0xa5: {  	s26 =	simm.s32 $execute0_lowered;
	[smem:$0x3FD2] =	sst s25  }
0xa6: {  	s4 =	sshll.u32 s26, $0x1;
	_ =	strace $0x80000046;
	[dreg:$0x1] =	wrdreg $0xFFFFFFFF  }
0xa7: {  	s28 =	simm.s32 $_size_execute0_lowered;
	s2 =	sadd.s32 s2, s4;
	[dreg:$0x0] =	wrdreg $0x0  }
0xa8: {  	s4 =	sshll.u32 s28, $0x1;
	[dreg:$0x2] =	wrdreg s2  }
0xa9: {  	[dreg:$0x3] =	wrdreg s4  }
0xaa: {  	[dreg:$0x4] =	wrdreg $0xC0  }
0xab: {  	_ =	task [dreg:s6], $0x5FFFF  }
0xac: {  	[dreg:$0x1] =	wrdreg $0xFFFFFFFF  }
0xad: {  	[dreg:$0x0] =	wrdreg $0x60  }
0xae: {  	[dreg:$0x2] =	wrdreg s24  }
0xaf: {  	[dreg:$0x3] =	wrdreg $0x47E00  }
0xb0: {  	[dreg:$0x4] =	wrdreg $0x9  }
0xb1: {  	_ =	task.clear_ibuf [dreg:s6], $0x5FFFF;
	_ =	strace $0x90000046  }
0xb2: {  	s29 =	simm.s32 $0x9;
	_ =	strace $0x80000048  }
0xb3: {  	_ =	swait.ge [sflag:s29], $0x1  }
0xb4: {  	[sflag:s29] =	ssyncadd.s32 $0xFFFFFFFF  }
0xb5: {  	_ =	strace $0x90000048  }
0xb6: {  	_ =	sfence  }
0xb7: {  	s30 =	sld [smem:$0x0];
	_ =	sdelay $0x2  }
0xb8: {  	s31 =	sshll.u32 s1, $0xD;
	s1 =	sshrl.u32 s1, $0x2  }
0xb9: {  	s3 =	sand.u32 $0x4000, s31;
	s1 =	sadd.s32 s1, s30  }
0xba: {  	s0 =	sor.u32 s3, s0;
	s1 =	sshll.u32 s1, $0x11  }
0xbb: {  	s0 =	sor.u32 s1, s0  }
0xbc: {  	s0 =	sadd.s32 $0x8F2B, s0  }
0xbd: {  	[sflag:s0] =	ssyncadd.remote.s32 $0x1  }
0xbe: {  	_ =	sfence.sel $0xFFFF  }
0xbf: {  	[dreg:$0x0] =	wrdreg $0xFFFFFFFF;
	(pc) =	sbr.abs _section_cstart, $3  }
0xc0: {  	[dreg:$0x1] =	wrdreg $0xFFFFFFFF  }
0xc1: {  	_ =	task.clear_ibuf [dreg:s6], $0x2FFFF;
	_ =	strace $0x9FFFFFFF  }
0xc2: {  	(tm) =	ssettm $0x7FFFFFFF  }
0xc3: {  	_ =	shalt  }
tec
execute0_lowered:
.L_overlay_start_1:
0x0: {  	(tag) =	ssettag $0x1  }
0x1: {  	s1 =	srdreg.scid;
	s4 =	rddreg [dreg:$0x0]  }
0x2: {  	s0 =	stileid.u32;
	s2 =	rddreg [dreg:$0x1]  }
0x3: {  	s3 =	simm.s32 $0x0;
	s12 =	simm.s32 $0x4010;
	s13 =	simm.s32 $0x2  }
0x4: {  	s14 =	simm.s32 $0x1;
	s15 =	simm.s32 $0x190;
	s6 =	smul.u32 $0x4E20, s0  }
0x5: {  	s16 =	simm.s32 $0x2710;
	s19 =	simm.s32 $0x0;
	s8 =	smul.u32 $0x2710, s0  }
0x6: {  	s5 =	sand.u32 $0x1, s1;
	s1 =	rddreg [dreg:$0x2];
	s9 =	smul.u32 $0x9C40, s0  }
0x7: {  	[smem:$0x7FF] =	sst s3;
	s17 =	sshll.u32 s0, $0x6;
	s7 =	smul.u32 $0x2710, s5  }
0x8: {  	s26 =	smul.u32 $0x27100, s5;
	_ =	strace $0x80000047;
	s5 =	ssub.s32 $0x2, s5  }
0x9: {  	s17 =	sor.u32 $0x1C02, s17;
	s29 =	sshrl.u32 s5, $0x1;
	s31 =	sshrl.u32 s9, $0x2  }
0xa: {  	s18 =	sadd.s32 s8, s2;
	s6 =	sadd.s32 s7, s6;
	s7 =	sadd.s32 s8, s26  }
0xb: {  	s30 =	ssub.s32 s5, s29;
	s5 =	sadd.s32 s31, s2;
	s18 =	sshrl.u32 s18, $0x3  }
0xc: {  	s6 =	sadd.s32 $0x4E200, s6;
	s28 =	sshrl.u32 s7, $0x3;
	s7 =	sadd.s32 $0x7D0, s5  }
0xd: {  	s8 =	sadd.s32 $0xFA0, s5;
	s9 =	sadd.s32 $0x1770, s5;
	s6 =	sshrl.u32 s6, $0x3  }
0xe: {  	s10 =	sadd.s32 $0x1F40, s5;
	s11 =	sadd.s32 s6, s4;
	s4 =	sadd.s32 s28, s4  }
0xf: {  	v0 =	vimm.f32 $0.0e+00;
	v1 =	vimm.f32 $1.000000000e+00;
	s6 =	smax.u32 s30, $0x1;
	s4 =	sadd.s32 $0x15600, s4;
	s11 =	sadd.s32 $0x1C00, s11  }
.LBB2_1:
0x10: {  	s20 =	simm.s32 $0x0  }
.LBB2_2:
0x11: {  	p0 =	sne.s32 s20, $0x1F00  }
.Ltmp0:
0x12: {  	_ = 	snop;
	(pc) =	sbr.rel @p0 .LBB2_2-.Ltmp0, $3  }
0x13: {  	_ =	sdelay $0x1  }
0x14: {  	s21 =	sshra.s32 s20, $0x2  }
0x15: {  	s20 =	sadd.s32 $0x40, s20;
	[tilespmem:s21+$0x4010] =	vst v0  }
0x16: {  	s20 =	simm.s32 $0x40;
	s21 =	simm.s32 $0x0  }
.LBB2_4:
0x17: {  	p0 =	sne.s32 s20, $0x63C0;
	[tilespmem:s21+$0x2710] =	vst v1;
	s21 =	smov.u32 s20;
	s20 =	sadd.s32 $0x40, s20  }
.Ltmp1:
0x18: {  	(pc) =	sbr.rel @p0 .LBB2_4-.Ltmp1, $2  }
0x19: {  	_ =	sdelay $0x2  }
0x1a: {  	s21 =	sshra.s32 s21, $0x2  }
0x1b: {  	[tilespmem:s21+$0x2710] =	vst v1  }
0x1c: {  	[spmem:s5] =	stream.linear.scatter [tilespmem:s12], [sflag:$0x2], $0x7D0, $0x38;
	[tilespmem:$0x6EF0] =	vst v63  }
0x1d: {  	_ =	swait.ge [sflag:s13], $0x7D0  }
0x1e: {  	[sflag:s13] =	ssyncset.done $0x0  }
0x1f: {  	[sflag:s13] =	ssyncadd.s32 $0xFFFFF830  }
0x20: {  	[spmem:s7] =	stream.linear.scatter [tilespmem:s12], [sflag:$0x2], $0x7D0, $0x38;
	[tilespmem:$0x6EF0] =	vst v63  }
0x21: {  	_ =	swait.ge [sflag:s13], $0x7D0  }
0x22: {  	[sflag:s13] =	ssyncset.done $0x0  }
0x23: {  	[sflag:s13] =	ssyncadd.s32 $0xFFFFF830  }
0x24: {  	[spmem:s8] =	stream.linear.scatter [tilespmem:s12], [sflag:$0x2], $0x7D0, $0x38;
	[tilespmem:$0x6EF0] =	vst v63  }
0x25: {  	_ =	swait.ge [sflag:s13], $0x7D0  }
0x26: {  	[sflag:s13] =	ssyncset.done $0x0  }
0x27: {  	[sflag:s13] =	ssyncadd.s32 $0xFFFFF830  }
0x28: {  	[spmem:s9] =	stream.linear.scatter [tilespmem:s12], [sflag:$0x2], $0x7D0, $0x38;
	[tilespmem:$0x6EF0] =	vst v63  }
0x29: {  	_ =	swait.ge [sflag:s13], $0x7D0  }
0x2a: {  	[sflag:s13] =	ssyncset.done $0x0  }
0x2b: {  	[sflag:s13] =	ssyncadd.s32 $0xFFFFF830  }
0x2c: {  	[spmem:s10] =	stream.linear.scatter [tilespmem:s12], [sflag:$0x2], $0x7D0, $0x38;
	[tilespmem:$0x6EF0] =	vst v63  }
0x2d: {  	_ =	swait.ge [sflag:s13], $0x7D0  }
0x2e: {  	s20 =	simm.s32 $0x0;
	s21 =	simm.s32 $0x32;
	[sflag:s13] =	ssyncset.done $0x0  }
0x2f: {  	s23 =	sadd.s32 $0x0, s11;
	s22 =	simm.s32 $0x190;
	[sflag:s13] =	ssyncadd.s32 $0xFFFFF830  }
.LBB2_6:
0x30: {  	[tilespmem:s20], [sflag:$0x1] =	stream.linear.gather [hbm4b:s23+s3], $0x190, $0x38;
	[tilespmem:$0x6EF0] =	vst v63  }
0x31: {  	s23 =	smov.u32 s21;
	s20 =	smov.u32 s22;
	p0 =	sne.s32 s21, $0x4B0  }
.Ltmp2:
0x32: {  	s21 =	sadd.s32 $0x32, s21;
	(pc) =	sbr.rel @p0 .LBB2_6-.Ltmp2, $2  }
0x33: {  	_ =	sdelay $0x2  }
0x34: {  	s22 =	sadd.s32 $0x190, s22;
	s23 =	sadd.s32 s23, s11  }
0x35: {  	[tilespmem:s20], [sflag:$0x1] =	stream.linear.gather [hbm4b:s23+s3], $0x190, $0x38;
	[tilespmem:$0x6EF0] =	vst v63  }
0x36: {  	_ =	swait.ge [sflag:s14], $0x190  }
0x37: {  	[sflag:s14] =	ssyncset.done $0x0  }
0x38: {  	[sflag:s14] =	ssyncadd.s32 $0xFFFFFE70  }
0x39: {  	_ =	swait.ge [sflag:s14], $0x190  }
0x3a: {  	[sflag:s14] =	ssyncset.done $0x0  }
0x3b: {  	[sflag:s14] =	ssyncadd.s32 $0xFFFFFE70  }
0x3c: {  	_ =	swait.ge [sflag:s14], $0x190  }
0x3d: {  	[sflag:s14] =	ssyncset.done $0x0  }
0x3e: {  	[sflag:s14] =	ssyncadd.s32 $0xFFFFFE70  }
0x3f: {  	_ =	swait.ge [sflag:s14], $0x190  }
0x40: {  	[sflag:s14] =	ssyncset.done $0x0  }
0x41: {  	[sflag:s14] =	ssyncadd.s32 $0xFFFFFE70  }
0x42: {  	_ =	swait.ge [sflag:s14], $0x190  }
0x43: {  	[sflag:s14] =	ssyncset.done $0x0  }
0x44: {  	[sflag:s14] =	ssyncadd.s32 $0xFFFFFE70  }
0x45: {  	_ =	swait.ge [sflag:s14], $0x190  }
0x46: {  	[sflag:s14] =	ssyncset.done $0x0  }
0x47: {  	[sflag:s14] =	ssyncadd.s32 $0xFFFFFE70  }
0x48: {  	_ =	swait.ge [sflag:s14], $0x190  }
0x49: {  	[sflag:s14] =	ssyncset.done $0x0  }
0x4a: {  	[sflag:s14] =	ssyncadd.s32 $0xFFFFFE70  }
0x4b: {  	_ =	swait.ge [sflag:s14], $0x190  }
0x4c: {  	[sflag:s14] =	ssyncset.done $0x0  }
0x4d: {  	[sflag:s14] =	ssyncadd.s32 $0xFFFFFE70  }
0x4e: {  	_ =	swait.ge [sflag:s14], $0x190  }
0x4f: {  	[sflag:s14] =	ssyncset.done $0x0  }
0x50: {  	[sflag:s14] =	ssyncadd.s32 $0xFFFFFE70  }
0x51: {  	_ =	swait.ge [sflag:s14], $0x190  }
0x52: {  	[sflag:s14] =	ssyncset.done $0x0  }
0x53: {  	[sflag:s14] =	ssyncadd.s32 $0xFFFFFE70  }
0x54: {  	_ =	swait.ge [sflag:s14], $0x190  }
0x55: {  	[sflag:s14] =	ssyncset.done $0x0  }
0x56: {  	[sflag:s14] =	ssyncadd.s32 $0xFFFFFE70  }
0x57: {  	_ =	swait.ge [sflag:s14], $0x190  }
0x58: {  	[sflag:s14] =	ssyncset.done $0x0  }
0x59: {  	[sflag:s14] =	ssyncadd.s32 $0xFFFFFE70  }
0x5a: {  	_ =	swait.ge [sflag:s14], $0x190  }
0x5b: {  	[sflag:s14] =	ssyncset.done $0x0  }
0x5c: {  	[sflag:s14] =	ssyncadd.s32 $0xFFFFFE70  }
0x5d: {  	_ =	swait.ge [sflag:s14], $0x190  }
0x5e: {  	[sflag:s14] =	ssyncset.done $0x0  }
0x5f: {  	[sflag:s14] =	ssyncadd.s32 $0xFFFFFE70  }
0x60: {  	_ =	swait.ge [sflag:s14], $0x190  }
0x61: {  	[sflag:s14] =	ssyncset.done $0x0  }
0x62: {  	[sflag:s14] =	ssyncadd.s32 $0xFFFFFE70  }
0x63: {  	_ =	swait.ge [sflag:s14], $0x190  }
0x64: {  	[sflag:s14] =	ssyncset.done $0x0  }
0x65: {  	[sflag:s14] =	ssyncadd.s32 $0xFFFFFE70  }
0x66: {  	_ =	swait.ge [sflag:s14], $0x190  }
0x67: {  	[sflag:s14] =	ssyncset.done $0x0  }
0x68: {  	[sflag:s14] =	ssyncadd.s32 $0xFFFFFE70  }
0x69: {  	_ =	swait.ge [sflag:s14], $0x190  }
0x6a: {  	[sflag:s14] =	ssyncset.done $0x0  }
0x6b: {  	[sflag:s14] =	ssyncadd.s32 $0xFFFFFE70  }
0x6c: {  	_ =	swait.ge [sflag:s14], $0x190  }
0x6d: {  	[sflag:s14] =	ssyncset.done $0x0  }
0x6e: {  	[sflag:s14] =	ssyncadd.s32 $0xFFFFFE70  }
0x6f: {  	_ =	swait.ge [sflag:s14], $0x190  }
0x70: {  	[sflag:s14] =	ssyncset.done $0x0  }
0x71: {  	[sflag:s14] =	ssyncadd.s32 $0xFFFFFE70  }
0x72: {  	_ =	swait.ge [sflag:s14], $0x190  }
0x73: {  	[sflag:s14] =	ssyncset.done $0x0  }
0x74: {  	[sflag:s14] =	ssyncadd.s32 $0xFFFFFE70  }
0x75: {  	_ =	swait.ge [sflag:s14], $0x190  }
0x76: {  	[sflag:s14] =	ssyncset.done $0x0  }
0x77: {  	[sflag:s14] =	ssyncadd.s32 $0xFFFFFE70  }
0x78: {  	_ =	swait.ge [sflag:s14], $0x190  }
0x79: {  	[sflag:s14] =	ssyncset.done $0x0  }
0x7a: {  	[sflag:s14] =	ssyncadd.s32 $0xFFFFFE70  }
0x7b: {  	_ =	swait.ge [sflag:s14], $0x190  }
0x7c: {  	[sflag:s14] =	ssyncset.done $0x0  }
0x7d: {  	[sflag:s14] =	ssyncadd.s32 $0xFFFFFE70  }
0x7e: {  	_ =	swait.ge [sflag:s14], $0x190  }
0x7f: {  	[sflag:s14] =	ssyncset.done $0x0  }
0x80: {  	[sflag:s14] =	ssyncadd.s32 $0xFFFFFE70  }
0x81: {  	s31 =	simm.s32 $0x0;
	[bflag:$0x0] =	sbarrier.arrive $0xFFFF  }
0x82: {  	[spmem:s2] =	stream.indirect.scatter.add.f32 [tilespmem:s16], [sflag:$0x2], $0x10, s31, s15, $0xb8;
	[tilespmem:$0x6EF0] =	vst v63  }
0x83: {  	_ =	swait.ge [sflag:s13], $0x1900  }
0x84: {  	s20 =	simm.s32 $0x640;
	[sflag:s13] =	ssyncset.done $0x0  }
.LBB2_8:
0x85: {  	s21 =	sshra.s32 s20, $0x2;
	[sflag:s13] =	ssyncadd.s32 $0xFFFFE700;
	p0 =	sne.s32 s20, $0x9600  }
0x86: {  	[spmem:s2] =	stream.indirect.scatter.add.f32 [tilespmem:s16], [sflag:$0x2], $0x10, s21, s15, $0xb8;
	[tilespmem:$0x6EF0] =	vst v63  }
.Ltmp3:
0x87: {  	_ = 	snop;
	(pc) =	sbr.rel @p0 .LBB2_8-.Ltmp3, $4  }
0x88: {  	_ = 	snop  }
0x89: {  	s20 =	sadd.s32 $0x640, s20  }
0x8a: {  	_ =	swait.ge [sflag:s13], $0x1900  }
0x8b: {  	[sflag:s13] =	ssyncset.done $0x0  }
0x8c: {  	s19 =	sadd.s32 $0x1, s19  }
0x8d: {  	[sflag:s13] =	ssyncadd.s32 $0xFFFFE700;
	p0 =	sne.s32 s19, s6  }
.Ltmp4:
0x8e: {  	[bflag:$0x0] =	sbarrier.arrive $0xFFFF;
	(pc) =	sbr.rel @p0 .LBB2_1-.Ltmp4, $4  }
0x8f: {  	[hbm:s4], [sflag:s17] =	dma.local [spmem:s18], $0x4E2  }
0x90: {  	_ =	swait.ge [sflag:s13], $0x4E2  }
0x91: {  	[sflag:s13] =	ssyncset.done $0x0  }
0x92: {  	[sflag:s13] =	ssyncadd.s32 $0xFFFFFB1E  }
0x93: {  	_ =	sfence.sel $0x180000  }
0x94: {  	[bflag:$0x0] =	sbarrier.arrive $0xFFFF  }
0x95: {  	p0 =	sne.s32 s0, $0x0;
	_ =	strace $0x90000047  }
0x96: {  	s0 =	sadd.s32 @!p0 $0x100000, s1;
	[bflag:$0x2] =	sbarrier.arrive $0xFFFF  }
0x97: {  	[sflag:s0] =	ssyncadd.tile.s32 @!p0 $0x1;
	_ =	shalt  }
.Lfunc_end2:
_tile_overlayer_lowered:
.L_overlay_start_2:
0x98: {  	(tag) =	ssettag $0x2  }
0x99: {  	s0 =	rddreg [dreg:$0x0];
	s2 =	stileid.u32  }
0x9a: {  	s1 =	rddreg [dreg:$0x1];
	p0 =	sne.s32 s2, $0x0  }
0x9b: {  	s3 =	rddreg [dreg:$0x2];
	[bflag:$0x3] =	sbarrier.arrive $0xFFFF;
	s2 =	simm.s32 @!p0 $0x1C02  }
0x9c: {  	[timem:s3], [sflag:s2] =	dma.local @!p0 [hbm:s0], s1  }
0x9d: {  	s0 =	simm.s32 @!p0 $0x2  }
0x9e: {  	_ =	swait.ge @!p0 [sflag:s0], s1  }
0x9f: {  	s1 =	ssub.s32 @!p0 $0x0, s1;
	[sflag:s0] =	ssyncset.done @!p0 $0x0  }
0xa0: {  	[sflag:s0] =	ssyncadd.s32 @!p0 s1  }
0xa1: {  	[bflag:$0x3] =	sbarrier.arrive $0xFFFF  }
0xa2: {  	_ =	shalt  }

</sc_bundles>
